<compile_context>
chip_gen: v7x
topology: tpu7x:2x2x1
jax: 0.10.2.dev20260603
libtpu: 0.0.44.dev20260713+nightly
codegen_flags: <defaults>
</compile_context>

<pallas_src>
import functools

import jax
import jax.numpy as jnp
from jax.experimental import pallas as pl
from jax.experimental.pallas import tpu as pltpu
from jax.experimental.pallas import tpu_sc as plsc

B = 16384
HID = 1024
HYP = 128
M = 16
BB = 256
BM = BB * M
W = 128


def _tc_body(hid_ref, hyp_ref, Wp_ref, bp_ref, gamma_ref, beta_ref,
             W1_ref, b1_ref, W2_ref, b2_ref, Wgh_ref, Wgn_ref, bg_ref,
             upd_ref, conf_ref, min_ref, max_ref, g_ref, v_ref):
    hid = hid_ref[...]
    X = hyp_ref[...]

    nh = jnp.dot(hid, Wp_ref[...], preferred_element_type=jnp.float32) + bp_ref[...]
    mu = jnp.mean(nh, axis=-1, keepdims=True)
    var = jnp.mean((nh - mu) ** 2, axis=-1, keepdims=True)
    nh = (nh - mu) * jax.lax.rsqrt(var + 1e-5) * gamma_ref[...] + beta_ref[...]

    h1 = jnp.maximum(
        jnp.dot(X, W1_ref[...], preferred_element_type=jnp.float32) + b1_ref[...],
        0.0)
    logit = jnp.sum((h1 * W2_ref[...]).reshape(BB, M, HYP // 2), axis=2)
    conf = jax.nn.sigmoid(logit + b2_ref[...])
    conf_ref[...] = conf

    iota = jax.lax.broadcasted_iota(jnp.int32, (BB, M), 1)
    cmin = jnp.min(conf, axis=1, keepdims=True)
    cmax = jnp.max(conf, axis=1, keepdims=True)
    min_ref[...] = jnp.min(jnp.where(conf == cmin, iota, M), axis=1, keepdims=True)
    max_ref[...] = jnp.min(jnp.where(conf == cmax, iota, M), axis=1, keepdims=True)

    g = jax.nn.sigmoid(
        jnp.dot(hid, Wgh_ref[...], preferred_element_type=jnp.float32)
        + jnp.dot(nh, Wgn_ref[...], preferred_element_type=jnp.float32)
        + bg_ref[...])
    g_ref[...] = g
    v_ref[...] = (1.0 - g) * nh

    upd_ref[...] = X


_VECTOR_MESH = plsc.VectorSubcoreMesh(core_axis_name="c", subcore_axis_name="s")


@functools.partial(
    pl.kernel,
    out_type=jax.ShapeDtypeStruct((B, HYP), jnp.float32),
    mesh=_VECTOR_MESH,
    scratch_types=[pltpu.VMEM((W, HYP), jnp.float32)],
)
def _sc_update(upd_hbm, rmin_hbm, rmax_hbm, g_hbm, v_hbm, prim_hbm, old_v):
    def body(rmin_v, rmax_v, g_v, v_v, prim_v):
        pltpu.sync_copy(upd_hbm.at[rmin_v.at[0]], old_v)
        def blend_row(i, carry):
            for j in range(HYP // 16):
                sl = pl.ds(j * 16, 16)
                old_v[i, sl] = g_v[i, sl] * old_v[i, sl] + v_v[i, sl]
            return carry
        jax.lax.fori_loop(0, W, blend_row, 0)
        pltpu.sync_copy(old_v, upd_hbm.at[rmin_v.at[0]])
        pltpu.sync_copy(upd_hbm.at[rmax_v.at[0]], prim_v)

    pltpu.emit_pipeline(
        body,
        grid=(B // W,),
        in_specs=[
            pl.BlockSpec((1, W), lambda i: (0, i)),
            pl.BlockSpec((1, W), lambda i: (0, i)),
            pl.BlockSpec((W, HYP), lambda i: (i, 0)),
            pl.BlockSpec((W, HYP), lambda i: (i, 0)),
        ],
        out_specs=[pl.BlockSpec((W, HYP), lambda i: (i, 0))],
        core_axis_name="s",
        dimension_semantics=(pltpu.PARALLEL,),
    )(rmin_hbm, rmax_hbm, g_hbm, v_hbm, prim_hbm)


@jax.jit
def _run(hidden_state, hypotheses, Wp, bp, gamma, beta, W1, b1, W2, b2, Wg, bg):
    Wgh = Wg[:HID]
    Wgn = Wg[HID:]
    bp2 = bp.reshape(1, HYP)
    gamma2 = gamma.reshape(1, HYP)
    beta2 = beta.reshape(1, HYP)
    b12 = b1.reshape(1, HYP // 2)
    W22 = W2.reshape(1, HYP // 2)
    b22 = b2.reshape(1, 1)
    bg2 = bg.reshape(1, HYP)
    hyp2 = hypotheses.reshape(B * M, HYP)

    grid = (B // BB,)
    full = lambda *shape: pl.BlockSpec(shape, lambda i: (0,) * len(shape))
    upd_base, conf, min_idx, max_idx, g, v = pl.pallas_call(
        _tc_body,
        grid=grid,
        in_specs=[
            pl.BlockSpec((BB, HID), lambda i: (i, 0)),
            pl.BlockSpec((BM, HYP), lambda i: (i, 0)),
            full(HID, HYP),
            full(1, HYP),
            full(1, HYP),
            full(1, HYP),
            full(HYP, HYP // 2),
            full(1, HYP // 2),
            full(1, HYP // 2),
            full(1, 1),
            full(HID, HYP),
            full(HYP, HYP),
            full(1, HYP),
        ],
        out_specs=[
            pl.BlockSpec((BM, HYP), lambda i: (i, 0)),
            pl.BlockSpec((BB, M), lambda i: (i, 0)),
            pl.BlockSpec((BB, 1), lambda i: (i, 0)),
            pl.BlockSpec((BB, 1), lambda i: (i, 0)),
            pl.BlockSpec((BB, HYP), lambda i: (i, 0)),
            pl.BlockSpec((BB, HYP), lambda i: (i, 0)),
        ],
        out_shape=[
            jax.ShapeDtypeStruct((B * M, HYP), jnp.float32),
            jax.ShapeDtypeStruct((B, M), jnp.float32),
            jax.ShapeDtypeStruct((B, 1), jnp.int32),
            jax.ShapeDtypeStruct((B, 1), jnp.int32),
            jax.ShapeDtypeStruct((B, HYP), jnp.float32),
            jax.ShapeDtypeStruct((B, HYP), jnp.float32),
        ],
    )(hidden_state, hyp2, Wp, bp2, gamma2, beta2,
      W1, b12, W22, b22, Wgh, Wgn, bg2)

    rows = jnp.arange(B, dtype=jnp.int32) * M
    rmin = (rows + min_idx[:, 0]).reshape(1, B)
    rmax = (rows + max_idx[:, 0]).reshape(1, B)

    upd_ref = jax.new_ref(upd_base)
    primary = _sc_update(upd_ref, rmin, rmax, g, v)
    updated = upd_ref[...].reshape(B, M, HYP)
    return updated, primary, conf


def kernel(hidden_state, hypotheses, Wp, bp, gamma, beta, W1, b1, W2, b2, Wg, bg):
    return _run(hidden_state, hypotheses, Wp, bp, gamma, beta,
                W1, b1, W2, b2, Wg, bg)

# --- scband reference (transcript-rebuilt; emitter-appended) ---
"""Pipeline reference for scband-hypothesis-register-16793322127883 (READ-ONLY COPY).

The authoritative reference and input builder live on the scoring server;
editing this copy changes nothing except your own understanding.
"""

import jax, jax.numpy as jnp
import numpy as np

B = 16384
HID = 1024
HYP = 128
M = 16

def setup_inputs(seed: int = 0) -> dict:
    key = jax.random.key(seed)
    ks = jax.random.split(key, 8)
    return {
        "hidden_state": jax.random.normal(ks[0], (B, HID), dtype=jnp.float32),
        "hypotheses": jax.random.normal(ks[1], (B, M, HYP), dtype=jnp.float32),
        "Wp": jax.random.normal(ks[2], (HID, HYP), dtype=jnp.float32) * 0.02,
        "bp": jnp.zeros((HYP,), dtype=jnp.float32),
        "gamma": jnp.ones((HYP,), dtype=jnp.float32),
        "beta": jnp.zeros((HYP,), dtype=jnp.float32),
        "W1": jax.random.normal(ks[3], (HYP, HYP // 2), dtype=jnp.float32) * 0.05,
        "b1": jnp.zeros((HYP // 2,), dtype=jnp.float32),
        "W2": jax.random.normal(ks[4], (HYP // 2, 1), dtype=jnp.float32) * 0.05,
        "b2": jnp.zeros((1,), dtype=jnp.float32),
        "Wg": jax.random.normal(ks[5], (HID + HYP, HYP), dtype=jnp.float32) * 0.02,
        "bg": jnp.zeros((HYP,), dtype=jnp.float32),
    }

def reference(hidden_state, hypotheses, Wp, bp, gamma, beta, W1, b1, W2, b2, Wg, bg):
    # hypothesis_proj + layer_norm (dropout=0.0 / eval mode => identity)
    new_h = hidden_state @ Wp + bp
    mu = jnp.mean(new_h, axis=-1, keepdims=True)
    var = jnp.mean((new_h - mu) ** 2, axis=-1, keepdims=True)
    new_h = (new_h - mu) / jnp.sqrt(var + 1e-5) * gamma + beta
    # confidence_net: Linear -> ReLU -> Linear -> Sigmoid, squeeze(-1)
    h1 = jnp.maximum(hypotheses @ W1 + b1, 0.0)
    conf = jax.nn.sigmoid(h1 @ W2 + b2)[..., 0]  # (B, M)
    min_idx = jnp.argmin(conf, axis=1)  # (B,)
    # update gate
    gate_in = jnp.concatenate([hidden_state, new_h], axis=-1)
    gate = jax.nn.sigmoid(gate_in @ Wg + bg)  # (B, HYP)
    rows = jnp.arange(hypotheses.shape[0])
    old_hyp = hypotheses[rows, min_idx]  # gather (B, HYP)
    blended = gate * old_hyp + (1.0 - gate) * new_h
    updated = hypotheses.at[rows, min_idx].set(blended)  # scatter-overwrite
    max_idx = jnp.argmax(conf, axis=1)
    primary = updated[rows, max_idx]  # gather (B, HYP)
    return (updated, primary, conf)

if __name__ == "__main__":
    import jax
    _d = setup_inputs()
    print(jax.jit(kernel)(*tuple(_d.values())))

</pallas_src>

<mosaic_0001>
#map = affine_map<(d0, d1) -> (0, 0)>
module attributes {stable_mosaic.version = 14 : i64} {
  func.func @new_body(%arg0: i32, %arg1: i32, %arg2: memref<262144x128xf32, #tpu.memory_space<hbm>>, %arg3: memref<1x16384xi32, #tpu.memory_space<hbm>>, %arg4: memref<1x16384xi32, #tpu.memory_space<hbm>>, %arg5: memref<16384x128xf32, #tpu.memory_space<hbm>>, %arg6: memref<16384x128xf32, #tpu.memory_space<hbm>>, %arg7: memref<16384x128xf32, #tpu.memory_space<hbm>>, %arg8: memref<262144x128xf32, #tpu.memory_space<hbm>>, %arg9: memref<128x128xf32, #tpu.memory_space<vmem>>) attributes {dimension_semantics = [#tpu.dimension_semantics<core_parallel>, #tpu.dimension_semantics<subcore_parallel>], iteration_bounds = array<i64: 2, 16>, scalar_prefetch = 0 : i64, scratch_operands = 1 : i64, tpu.core_type = #tpu.core_type<sc_vector_subcore>, window_params = [{transform_indices = #map}, {transform_indices = #map}, {transform_indices = #map}, {transform_indices = #map}, {transform_indices = #map}, {transform_indices = #map}, {transform_indices = #map}]} {
    %mul3A = arith.constant 8 : i32
    %mul3A_0 = arith.muli %arg1, %mul3A : i32
    "tpu.region"() ({
      %run_scoped3A = memref.alloca() : memref<2x1x128xi32, #tpu.memory_space<vmem>>
      %run_scoped3A_1 = tpu.sem_alloc : memref<2x!tpu.dma_semaphore, #tpu.memory_space<semaphore_mem>>
      %run_scoped3A_2 = memref.alloca() : memref<2x1x128xi32, #tpu.memory_space<vmem>>
      %run_scoped3A_3 = tpu.sem_alloc : memref<2x!tpu.dma_semaphore, #tpu.memory_space<semaphore_mem>>
      %run_scoped3A_4 = memref.alloca() : memref<2x128x128xf32, #tpu.memory_space<vmem>>
      %run_scoped3A_5 = tpu.sem_alloc : memref<2x!tpu.dma_semaphore, #tpu.memory_space<semaphore_mem>>
      %run_scoped3A_6 = memref.alloca() : memref<2x128x128xf32, #tpu.memory_space<vmem>>
      %run_scoped3A_7 = tpu.sem_alloc : memref<2x!tpu.dma_semaphore, #tpu.memory_space<semaphore_mem>>
      %run_scoped3A_8 = memref.alloca() : memref<2x128x128xf32, #tpu.memory_space<vmem>>
      %run_scoped3A_9 = tpu.sem_alloc : memref<2x!tpu.dma_semaphore, #tpu.memory_space<semaphore_mem>>
      %add3A = arith.constant 0 : i32
      %add3A_10 = arith.addi %add3A, %mul3A_0 : i32
      %select_n3A = arith.constant true
      %select_n3A_11 = arith.constant 0 : i32
      %select_n3A_12 = arith.constant -1 : i32
      %select_n3A_13 = arith.select %select_n3A, %select_n3A_12, %select_n3A_11 : i32
      %eq3A = arith.constant -1 : i32
      %eq3A_14 = arith.cmpi eq, %select_n3A_13, %eq3A : i32
      %select_n3A_15 = arith.constant 7 : i32
      %select_n3A_16 = arith.select %eq3A_14, %select_n3A_15, %select_n3A_13 : i32
      %add3A_17 = arith.addi %select_n3A_16, %mul3A_0 : i32
      %select_n3A_18 = arith.constant true
      %select_n3A_19 = arith.constant 0 : i32
      %select_n3A_20 = arith.constant 1 : i32
      %select_n3A_21 = arith.select %select_n3A_18, %select_n3A_20, %select_n3A_19 : i32
      %eq3A_22 = arith.constant 8 : i32
      %eq3A_23 = arith.cmpi eq, %select_n3A_21, %eq3A_22 : i32
      %select_n3A_24 = arith.constant 0 : i32
      %select_n3A_25 = arith.select %eq3A_23, %select_n3A_24, %select_n3A_21 : i32
      %add3A_26 = arith.addi %select_n3A_25, %mul3A_0 : i32
      %add3A_27 = arith.constant 1 : i32
      %add3A_28 = arith.addi %select_n3A_25, %add3A_27 : i32
      %select_n3A_29 = arith.constant true
      %select_n3A_30 = arith.select %select_n3A_29, %add3A_28, %select_n3A_25 : i32
      %eq3A_31 = arith.constant 8 : i32
      %eq3A_32 = arith.cmpi eq, %select_n3A_30, %eq3A_31 : i32
      %select_n3A_33 = arith.constant 0 : i32
      %select_n3A_34 = arith.select %eq3A_32, %select_n3A_33, %select_n3A_30 : i32
      %add3A_35 = arith.addi %select_n3A_34, %mul3A_0 : i32
      "tpu.trace_start"() <{level = 10 : i32, message = "ep_initialize_0"}> : () -> ()
      %rem3A = arith.constant 0 : i32
      %rem3A_36 = arith.constant 2 : i32
      %rem3A_37 = arith.remui %rem3A, %rem3A_36 : i32
      %mul3A_38 = arith.constant 128 : i32
      %mul3A_39 = arith.muli %mul3A_38, %add3A_10 : i32
      %dma_start3A = arith.constant 0 : i32
      %dma_start3A_40 = arith.constant 0 : i32
      %dma_start3A_41 = tpu.memref_slice %run_scoped3A[%rem3A_37, %dma_start3A, %dma_start3A_40] : memref<2x1x128xi32, #tpu.memory_space<vmem>> -> memref<1x1x128xi32, #tpu.memory_space<vmem>>
      %dma_start3A_42 = tpu.memref_squeeze %dma_start3A_41 : memref<1x1x128xi32, #tpu.memory_space<vmem>> -> memref<1x128xi32, #tpu.memory_space<vmem>>
      %dma_start3A_43 = arith.constant 0 : i32
      %dma_start3A_44 = tpu.memref_slice %arg3[%dma_start3A_43, %mul3A_39] : memref<1x16384xi32, #tpu.memory_space<hbm>> -> memref<1x128xi32, #tpu.memory_space<hbm>>
      %dma_start3A_45 = tpu.memref_slice %run_scoped3A_1[%rem3A_37] : memref<2x!tpu.dma_semaphore, #tpu.memory_space<semaphore_mem>> -> memref<1x!tpu.dma_semaphore, #tpu.memory_space<semaphore_mem>>
      %dma_start3A_46 = tpu.memref_squeeze %dma_start3A_45 : memref<1x!tpu.dma_semaphore, #tpu.memory_space<semaphore_mem>> -> memref<!tpu.dma_semaphore, #tpu.memory_space<semaphore_mem>>
      %dma_start3A_47 = arith.constant 0 : i32
      %dma_start3A_48 = arith.constant 0 : i32
      %dma_start3A_49 = tpu.memref_slice %run_scoped3A[%rem3A_37, %dma_start3A_47, %dma_start3A_48] : memref<2x1x128xi32, #tpu.memory_space<vmem>> -> memref<1x1x128xi32, #tpu.memory_space<vmem>>
      %dma_start3A_50 = tpu.memref_squeeze %dma_start3A_49 : memref<1x1x128xi32, #tpu.memory_space<vmem>> -> memref<1x128xi32, #tpu.memory_space<vmem>>
      %dma_start3A_51 = arith.constant 0 : i32
      %dma_start3A_52 = tpu.memref_slice %arg3[%dma_start3A_51, %mul3A_39] : memref<1x16384xi32, #tpu.memory_space<hbm>> -> memref<1x128xi32, #tpu.memory_space<hbm>>
      tpu.enqueue_dma source(%dma_start3A_52 : memref<1x128xi32, #tpu.memory_space<hbm>>) target(%dma_start3A_50 : memref<1x128xi32, #tpu.memory_space<vmem>>) target_semaphore(%dma_start3A_46 : memref<!tpu.dma_semaphore, #tpu.memory_space<semaphore_mem>>)
      %add3A_53 = arith.constant 0 : i32
      %add3A_54 = arith.constant 1 : i32
      %add3A_55 = arith.addi %add3A_53, %add3A_54 : i32
      %select_n3A_56 = arith.constant true
      %select_n3A_57 = arith.constant 0 : i32
      %select_n3A_58 = arith.select %select_n3A_56, %add3A_55, %select_n3A_57 : i32
      %rem3A_59 = arith.constant 0 : i32
      %rem3A_60 = arith.constant 2 : i32
      %rem3A_61 = arith.remui %rem3A_59, %rem3A_60 : i32
      %mul3A_62 = arith.constant 128 : i32
      %mul3A_63 = arith.muli %mul3A_62, %add3A_10 : i32
      %dma_start3A_64 = arith.constant 0 : i32
      %dma_start3A_65 = arith.constant 0 : i32
      %dma_start3A_66 = tpu.memref_slice %run_scoped3A_2[%rem3A_61, %dma_start3A_64, %dma_start3A_65] : memref<2x1x128xi32, #tpu.memory_space<vmem>> -> memref<1x1x128xi32, #tpu.memory_space<vmem>>
      %dma_start3A_67 = tpu.memref_squeeze %dma_start3A_66 : memref<1x1x128xi32, #tpu.memory_space<vmem>> -> memref<1x128xi32, #tpu.memory_space<vmem>>
      %dma_start3A_68 = arith.constant 0 : i32
      %dma_start3A_69 = tpu.memref_slice %arg4[%dma_start3A_68, %mul3A_63] : memref<1x16384xi32, #tpu.memory_space<hbm>> -> memref<1x128xi32, #tpu.memory_space<hbm>>
      %dma_start3A_70 = tpu.memref_slice %run_scoped3A_3[%rem3A_61] : memref<2x!tpu.dma_semaphore, #tpu.memory_space<semaphore_mem>> -> memref<1x!tpu.dma_semaphore, #tpu.memory_space<semaphore_mem>>
      %dma_start3A_71 = tpu.memref_squeeze %dma_start3A_70 : memref<1x!tpu.dma_semaphore, #tpu.memory_space<semaphore_mem>> -> memref<!tpu.dma_semaphore, #tpu.memory_space<semaphore_mem>>
      %dma_start3A_72 = arith.constant 0 : i32
      %dma_start3A_73 = arith.constant 0 : i32
      %dma_start3A_74 = tpu.memref_slice %run_scoped3A_2[%rem3A_61, %dma_start3A_72, %dma_start3A_73] : memref<2x1x128xi32, #tpu.memory_space<vmem>> -> memref<1x1x128xi32, #tpu.memory_space<vmem>>
      %dma_start3A_75 = tpu.memref_squeeze %dma_start3A_74 : memref<1x1x128xi32, #tpu.memory_space<vmem>> -> memref<1x128xi32, #tpu.memory_space<vmem>>
      %dma_start3A_76 = arith.constant 0 : i32
      %dma_start3A_77 = tpu.memref_slice %arg4[%dma_start3A_76, %mul3A_63] : memref<1x16384xi32, #tpu.memory_space<hbm>> -> memref<1x128xi32, #tpu.memory_space<hbm>>
      tpu.enqueue_dma source(%dma_start3A_77 : memref<1x128xi32, #tpu.memory_space<hbm>>) target(%dma_start3A_75 : memref<1x128xi32, #tpu.memory_space<vmem>>) target_semaphore(%dma_start3A_71 : memref<!tpu.dma_semaphore, #tpu.memory_space<semaphore_mem>>)
      %add3A_78 = arith.constant 0 : i32
      %add3A_79 = arith.constant 1 : i32
      %add3A_80 = arith.addi %add3A_78, %add3A_79 : i32
      %select_n3A_81 = arith.constant true
      %select_n3A_82 = arith.constant 0 : i32
      %select_n3A_83 = arith.select %select_n3A_81, %add3A_80, %select_n3A_82 : i32
      %rem3A_84 = arith.constant 0 : i32
      %rem3A_85 = arith.constant 2 : i32
      %rem3A_86 = arith.remui %rem3A_84, %rem3A_85 : i32
      %mul3A_87 = arith.constant 128 : i32
      %mul3A_88 = arith.muli %mul3A_87, %add3A_10 : i32
      %dma_start3A_89 = arith.constant 0 : i32
      %dma_start3A_90 = arith.constant 0 : i32
      %dma_start3A_91 = tpu.memref_slice %run_scoped3A_4[%rem3A_86, %dma_start3A_89, %dma_start3A_90] : memref<2x128x128xf32, #tpu.memory_space<vmem>> -> memref<1x128x128xf32, #tpu.memory_space<vmem>>
      %dma_start3A_92 = tpu.memref_squeeze %dma_start3A_91 : memref<1x128x128xf32, #tpu.memory_space<vmem>> -> memref<128x128xf32, #tpu.memory_space<vmem>>
      %dma_start3A_93 = arith.constant 0 : i32
      %dma_start3A_94 = tpu.memref_slice %arg5[%mul3A_88, %dma_start3A_93] : memref<16384x128xf32, #tpu.memory_space<hbm>> -> memref<128x128xf32, #tpu.memory_space<hbm>>
      %dma_start3A_95 = tpu.memref_slice %run_scoped3A_5[%rem3A_86] : memref<2x!tpu.dma_semaphore, #tpu.memory_space<semaphore_mem>> -> memref<1x!tpu.dma_semaphore, #tpu.memory_space<semaphore_mem>>
      %dma_start3A_96 = tpu.memref_squeeze %dma_start3A_95 : memref<1x!tpu.dma_semaphore, #tpu.memory_space<semaphore_mem>> -> memref<!tpu.dma_semaphore, #tpu.memory_space<semaphore_mem>>
      %dma_start3A_97 = arith.constant 0 : i32
      %dma_start3A_98 = arith.constant 0 : i32
      %dma_start3A_99 = tpu.memref_slice %run_scoped3A_4[%rem3A_86, %dma_start3A_97, %dma_start3A_98] : memref<2x128x128xf32, #tpu.memory_space<vmem>> -> memref<1x128x128xf32, #tpu.memory_space<vmem>>
      %dma_start3A_100 = tpu.memref_squeeze %dma_start3A_99 : memref<1x128x128xf32, #tpu.memory_space<vmem>> -> memref<128x128xf32, #tpu.memory_space<vmem>>
      %dma_start3A_101 = arith.constant 0 : i32
      %dma_start3A_102 = tpu.memref_slice %arg5[%mul3A_88, %dma_start3A_101] : memref<16384x128xf32, #tpu.memory_space<hbm>> -> memref<128x128xf32, #tpu.memory_space<hbm>>
      tpu.enqueue_dma source(%dma_start3A_102 : memref<128x128xf32, #tpu.memory_space<hbm>>) target(%dma_start3A_100 : memref<128x128xf32, #tpu.memory_space<vmem>>) target_semaphore(%dma_start3A_96 : memref<!tpu.dma_semaphore, #tpu.memory_space<semaphore_mem>>)
      %add3A_103 = arith.constant 0 : i32
      %add3A_104 = arith.constant 1 : i32
      %add3A_105 = arith.addi %add3A_103, %add3A_104 : i32
      %select_n3A_106 = arith.constant true
      %select_n3A_107 = arith.constant 0 : i32
      %select_n3A_108 = arith.select %select_n3A_106, %add3A_105, %select_n3A_107 : i32
      %rem3A_109 = arith.constant 0 : i32
      %rem3A_110 = arith.constant 2 : i32
      %rem3A_111 = arith.remui %rem3A_109, %rem3A_110 : i32
      %mul3A_112 = arith.constant 128 : i32
      %mul3A_113 = arith.muli %mul3A_112, %add3A_10 : i32
      %dma_start3A_114 = arith.constant 0 : i32
      %dma_start3A_115 = arith.constant 0 : i32
      %dma_start3A_116 = tpu.memref_slice %run_scoped3A_6[%rem3A_111, %dma_start3A_114, %dma_start3A_115] : memref<2x128x128xf32, #tpu.memory_space<vmem>> -> memref<1x128x128xf32, #tpu.memory_space<vmem>>
      %dma_start3A_117 = tpu.memref_squeeze %dma_start3A_116 : memref<1x128x128xf32, #tpu.memory_space<vmem>> -> memref<128x128xf32, #tpu.memory_space<vmem>>
      %dma_start3A_118 = arith.constant 0 : i32
      %dma_start3A_119 = tpu.memref_slice %arg6[%mul3A_113, %dma_start3A_118] : memref<16384x128xf32, #tpu.memory_space<hbm>> -> memref<128x128xf32, #tpu.memory_space<hbm>>
      %dma_start3A_120 = tpu.memref_slice %run_scoped3A_7[%rem3A_111] : memref<2x!tpu.dma_semaphore, #tpu.memory_space<semaphore_mem>> -> memref<1x!tpu.dma_semaphore, #tpu.memory_space<semaphore_mem>>
      %dma_start3A_121 = tpu.memref_squeeze %dma_start3A_120 : memref<1x!tpu.dma_semaphore, #tpu.memory_space<semaphore_mem>> -> memref<!tpu.dma_semaphore, #tpu.memory_space<semaphore_mem>>
      %dma_start3A_122 = arith.constant 0 : i32
      %dma_start3A_123 = arith.constant 0 : i32
      %dma_start3A_124 = tpu.memref_slice %run_scoped3A_6[%rem3A_111, %dma_start3A_122, %dma_start3A_123] : memref<2x128x128xf32, #tpu.memory_space<vmem>> -> memref<1x128x128xf32, #tpu.memory_space<vmem>>
      %dma_start3A_125 = tpu.memref_squeeze %dma_start3A_124 : memref<1x128x128xf32, #tpu.memory_space<vmem>> -> memref<128x128xf32, #tpu.memory_space<vmem>>
      %dma_start3A_126 = arith.constant 0 : i32
      %dma_start3A_127 = tpu.memref_slice %arg6[%mul3A_113, %dma_start3A_126] : memref<16384x128xf32, #tpu.memory_space<hbm>> -> memref<128x128xf32, #tpu.memory_space<hbm>>
      tpu.enqueue_dma source(%dma_start3A_127 : memref<128x128xf32, #tpu.memory_space<hbm>>) target(%dma_start3A_125 : memref<128x128xf32, #tpu.memory_space<vmem>>) target_semaphore(%dma_start3A_121 : memref<!tpu.dma_semaphore, #tpu.memory_space<semaphore_mem>>)
      %add3A_128 = arith.constant 0 : i32
      %add3A_129 = arith.constant 1 : i32
      %add3A_130 = arith.addi %add3A_128, %add3A_129 : i32
      %select_n3A_131 = arith.constant true
      %select_n3A_132 = arith.constant 0 : i32
      %select_n3A_133 = arith.select %select_n3A_131, %add3A_130, %select_n3A_132 : i32
      "tpu.trace_stop"() : () -> ()
      %scan3A = arith.constant 0 : i32
      %scan3A_134 = arith.constant 0 : i32
      %scan3A_135 = arith.constant 0 : i32
      %scan3A_136 = arith.constant 0 : i32
      %scan3A_137 = arith.constant 0 : i32
      %scan3A_138 = arith.constant 0 : i32
      %scan3A_139 = arith.constant 0 : i32
      %scan3A_140 = arith.constant 0 : i32
      %scan3A_141 = arith.constant 8 : i32
      %scan3A_142 = arith.addi %scan3A_140, %scan3A_141 : i32
      %scan3A_143 = arith.constant 1 : i32
      %scan3A_144:11 = scf.for %scan3A_198 = %scan3A_140 to %scan3A_142 step %scan3A_143 iter_args(%scan3A_199 = %select_n3A_58, %scan3A_200 = %scan3A, %scan3A_201 = %select_n3A_83, %scan3A_202 = %scan3A_134, %scan3A_203 = %select_n3A_108, %scan3A_204 = %scan3A_135, %scan3A_205 = %select_n3A_133, %scan3A_206 = %scan3A_136, %scan3A_207 = %scan3A_137, %scan3A_208 = %scan3A_138, %scan3A_209 = %scan3A_139) -> (i32, i32, i32, i32, i32, i32, i32, i32, i32, i32, i32)  : i32 {
        %eq3A_210 = arith.constant 0 : i32
        %eq3A_211 = arith.cmpi eq, %scan3A_198, %eq3A_210 : i32
        %eq3A_212 = arith.constant 7 : i32
        %eq3A_213 = arith.cmpi eq, %scan3A_198, %eq3A_212 : i32
        %add3A_214 = arith.addi %scan3A_209, %mul3A_0 : i32
        %sub3A_215 = arith.constant 1 : i32
        %sub3A_216 = arith.subi %scan3A_209, %sub3A_215 : i32
        %select_n3A_217 = arith.constant true
        %select_n3A_218 = arith.select %select_n3A_217, %sub3A_216, %scan3A_209 : i32
        %eq3A_219 = arith.constant -1 : i32
        %eq3A_220 = arith.cmpi eq, %select_n3A_218, %eq3A_219 : i32
        %select_n3A_221 = arith.constant 7 : i32
        %select_n3A_222 = arith.select %eq3A_220, %select_n3A_221, %select_n3A_218 : i32
        %add3A_223 = arith.addi %select_n3A_222, %mul3A_0 : i32
        %add3A_224 = arith.constant 1 : i32
        %add3A_225 = arith.addi %scan3A_209, %add3A_224 : i32
        %select_n3A_226 = arith.constant true
        %select_n3A_227 = arith.select %select_n3A_226, %add3A_225, %scan3A_209 : i32
        %eq3A_228 = arith.constant 8 : i32
        %eq3A_229 = arith.cmpi eq, %select_n3A_227, %eq3A_228 : i32
        %select_n3A_230 = arith.constant 0 : i32
        %select_n3A_231 = arith.select %eq3A_229, %select_n3A_230, %select_n3A_227 : i32
        %add3A_232 = arith.addi %select_n3A_231, %mul3A_0 : i32
        %add3A_233 = arith.constant 1 : i32
        %add3A_234 = arith.addi %select_n3A_231, %add3A_233 : i32
        %select_n3A_235 = arith.constant true
        %select_n3A_236 = arith.select %select_n3A_235, %add3A_234, %select_n3A_231 : i32
        %eq3A_237 = arith.constant 8 : i32
        %eq3A_238 = arith.cmpi eq, %select_n3A_236, %eq3A_237 : i32
        %select_n3A_239 = arith.constant 0 : i32
        %select_n3A_240 = arith.select %eq3A_238, %select_n3A_239, %select_n3A_236 : i32
        %add3A_241 = arith.addi %select_n3A_240, %mul3A_0 : i32
        %ne3A = arith.cmpi ne, %add3A_214, %add3A_232 : i32
        %or3A = arith.constant false
        %or3A_242 = arith.ori %or3A, %ne3A : i1
        %ge3A = arith.constant 7 : i32
        %ge3A_243 = arith.cmpi sge, %scan3A_198, %ge3A : i32
        %not3A = arith.constant true
        %not3A_244 = arith.xori %ge3A_243, %not3A : i1
        %and3A = arith.andi %or3A_242, %not3A_244 : i1
        %convert_element_type3A = arith.extui %and3A : i1 to i32
        %cond3A = arith.constant 0 : i32
        %cond3A_245 = arith.cmpi ne, %convert_element_type3A, %cond3A : i32
        scf.if %cond3A_245 {
          "tpu.trace_start"() <{level = 10 : i32, message = "ep_copy_in"}> : () -> ()
          %rem3A_531 = arith.constant 2 : i32
          %rem3A_532 = arith.remui %scan3A_199, %rem3A_531 : i32
          %mul3A_533 = arith.constant 128 : i32
          %mul3A_534 = arith.muli %mul3A_533, %add3A_232 : i32
          %dma_start3A_535 = arith.constant 0 : i32
          %dma_start3A_536 = arith.constant 0 : i32
          %dma_start3A_537 = tpu.memref_slice %run_scoped3A[%rem3A_532, %dma_start3A_535, %dma_start3A_536] : memref<2x1x128xi32, #tpu.memory_space<vmem>> -> memref<1x1x128xi32, #tpu.memory_space<vmem>>
          %dma_start3A_538 = tpu.memref_squeeze %dma_start3A_537 : memref<1x1x128xi32, #tpu.memory_space<vmem>> -> memref<1x128xi32, #tpu.memory_space<vmem>>
          %dma_start3A_539 = arith.constant 0 : i32
          %dma_start3A_540 = tpu.memref_slice %arg3[%dma_start3A_539, %mul3A_534] : memref<1x16384xi32, #tpu.memory_space<hbm>> -> memref<1x128xi32, #tpu.memory_space<hbm>>
          %dma_start3A_541 = tpu.memref_slice %run_scoped3A_1[%rem3A_532] : memref<2x!tpu.dma_semaphore, #tpu.memory_space<semaphore_mem>> -> memref<1x!tpu.dma_semaphore, #tpu.memory_space<semaphore_mem>>
          %dma_start3A_542 = tpu.memref_squeeze %dma_start3A_541 : memref<1x!tpu.dma_semaphore, #tpu.memory_space<semaphore_mem>> -> memref<!tpu.dma_semaphore, #tpu.memory_space<semaphore_mem>>
          %dma_start3A_543 = arith.constant 0 : i32
          %dma_start3A_544 = arith.constant 0 : i32
          %dma_start3A_545 = tpu.memref_slice %run_scoped3A[%rem3A_532, %dma_start3A_543, %dma_start3A_544] : memref<2x1x128xi32, #tpu.memory_space<vmem>> -> memref<1x1x128xi32, #tpu.memory_space<vmem>>
          %dma_start3A_546 = tpu.memref_squeeze %dma_start3A_545 : memref<1x1x128xi32, #tpu.memory_space<vmem>> -> memref<1x128xi32, #tpu.memory_space<vmem>>
          %dma_start3A_547 = arith.constant 0 : i32
          %dma_start3A_548 = tpu.memref_slice %arg3[%dma_start3A_547, %mul3A_534] : memref<1x16384xi32, #tpu.memory_space<hbm>> -> memref<1x128xi32, #tpu.memory_space<hbm>>
          tpu.enqueue_dma source(%dma_start3A_548 : memref<1x128xi32, #tpu.memory_space<hbm>>) target(%dma_start3A_546 : memref<1x128xi32, #tpu.memory_space<vmem>>) target_semaphore(%dma_start3A_542 : memref<!tpu.dma_semaphore, #tpu.memory_space<semaphore_mem>>)
          "tpu.trace_stop"() : () -> ()
        } else {
        }
        %and3A_246 = arith.constant true
        %and3A_247 = arith.andi %and3A, %and3A_246 : i1
        %add3A_248 = arith.constant 1 : i32
        %add3A_249 = arith.addi %scan3A_199, %add3A_248 : i32
        %select_n3A_250 = arith.select %and3A_247, %add3A_249, %scan3A_199 : i32
        %ne3A_251 = arith.cmpi ne, %add3A_214, %add3A_232 : i32
        %or3A_252 = arith.constant false
        %or3A_253 = arith.ori %or3A_252, %ne3A_251 : i1
        %ge3A_254 = arith.constant 7 : i32
        %ge3A_255 = arith.cmpi sge, %scan3A_198, %ge3A_254 : i32
        %not3A_256 = arith.constant true
        %not3A_257 = arith.xori %ge3A_255, %not3A_256 : i1
        %and3A_258 = arith.andi %or3A_253, %not3A_257 : i1
        %convert_element_type3A_259 = arith.extui %and3A_258 : i1 to i32
        %cond3A_260 = arith.constant 0 : i32
        %cond3A_261 = arith.cmpi ne, %convert_element_type3A_259, %cond3A_260 : i32
        scf.if %cond3A_261 {
          "tpu.trace_start"() <{level = 10 : i32, message = "ep_copy_in"}> : () -> ()
          %rem3A_531 = arith.constant 2 : i32
          %rem3A_532 = arith.remui %scan3A_201, %rem3A_531 : i32
          %mul3A_533 = arith.constant 128 : i32
          %mul3A_534 = arith.muli %mul3A_533, %add3A_232 : i32
          %dma_start3A_535 = arith.constant 0 : i32
          %dma_start3A_536 = arith.constant 0 : i32
          %dma_start3A_537 = tpu.memref_slice %run_scoped3A_2[%rem3A_532, %dma_start3A_535, %dma_start3A_536] : memref<2x1x128xi32, #tpu.memory_space<vmem>> -> memref<1x1x128xi32, #tpu.memory_space<vmem>>
          %dma_start3A_538 = tpu.memref_squeeze %dma_start3A_537 : memref<1x1x128xi32, #tpu.memory_space<vmem>> -> memref<1x128xi32, #tpu.memory_space<vmem>>
          %dma_start3A_539 = arith.constant 0 : i32
          %dma_start3A_540 = tpu.memref_slice %arg4[%dma_start3A_539, %mul3A_534] : memref<1x16384xi32, #tpu.memory_space<hbm>> -> memref<1x128xi32, #tpu.memory_space<hbm>>
          %dma_start3A_541 = tpu.memref_slice %run_scoped3A_3[%rem3A_532] : memref<2x!tpu.dma_semaphore, #tpu.memory_space<semaphore_mem>> -> memref<1x!tpu.dma_semaphore, #tpu.memory_space<semaphore_mem>>
          %dma_start3A_542 = tpu.memref_squeeze %dma_start3A_541 : memref<1x!tpu.dma_semaphore, #tpu.memory_space<semaphore_mem>> -> memref<!tpu.dma_semaphore, #tpu.memory_space<semaphore_mem>>
          %dma_start3A_543 = arith.constant 0 : i32
          %dma_start3A_544 = arith.constant 0 : i32
          %dma_start3A_545 = tpu.memref_slice %run_scoped3A_2[%rem3A_532, %dma_start3A_543, %dma_start3A_544] : memref<2x1x128xi32, #tpu.memory_space<vmem>> -> memref<1x1x128xi32, #tpu.memory_space<vmem>>
          %dma_start3A_546 = tpu.memref_squeeze %dma_start3A_545 : memref<1x1x128xi32, #tpu.memory_space<vmem>> -> memref<1x128xi32, #tpu.memory_space<vmem>>
          %dma_start3A_547 = arith.constant 0 : i32
          %dma_start3A_548 = tpu.memref_slice %arg4[%dma_start3A_547, %mul3A_534] : memref<1x16384xi32, #tpu.memory_space<hbm>> -> memref<1x128xi32, #tpu.memory_space<hbm>>
          tpu.enqueue_dma source(%dma_start3A_548 : memref<1x128xi32, #tpu.memory_space<hbm>>) target(%dma_start3A_546 : memref<1x128xi32, #tpu.memory_space<vmem>>) target_semaphore(%dma_start3A_542 : memref<!tpu.dma_semaphore, #tpu.memory_space<semaphore_mem>>)
          "tpu.trace_stop"() : () -> ()
        } else {
        }
        %and3A_262 = arith.constant true
        %and3A_263 = arith.andi %and3A_258, %and3A_262 : i1
        %add3A_264 = arith.constant 1 : i32
        %add3A_265 = arith.addi %scan3A_201, %add3A_264 : i32
        %select_n3A_266 = arith.select %and3A_263, %add3A_265, %scan3A_201 : i32
        %ne3A_267 = arith.cmpi ne, %add3A_214, %add3A_232 : i32
        %or3A_268 = arith.constant false
        %or3A_269 = arith.ori %or3A_268, %ne3A_267 : i1
        %or3A_270 = arith.constant false
        %or3A_271 = arith.ori %or3A_269, %or3A_270 : i1
        %ge3A_272 = arith.constant 7 : i32
        %ge3A_273 = arith.cmpi sge, %scan3A_198, %ge3A_272 : i32
        %not3A_274 = arith.constant true
        %not3A_275 = arith.xori %ge3A_273, %not3A_274 : i1
        %and3A_276 = arith.andi %or3A_271, %not3A_275 : i1
        %convert_element_type3A_277 = arith.extui %and3A_276 : i1 to i32
        %cond3A_278 = arith.constant 0 : i32
        %cond3A_279 = arith.cmpi ne, %convert_element_type3A_277, %cond3A_278 : i32
        scf.if %cond3A_279 {
          "tpu.trace_start"() <{level = 10 : i32, message = "ep_copy_in"}> : () -> ()
          %rem3A_531 = arith.constant 2 : i32
          %rem3A_532 = arith.remui %scan3A_203, %rem3A_531 : i32
          %mul3A_533 = arith.constant 128 : i32
          %mul3A_534 = arith.muli %mul3A_533, %add3A_232 : i32
          %dma_start3A_535 = arith.constant 0 : i32
          %dma_start3A_536 = arith.constant 0 : i32
          %dma_start3A_537 = tpu.memref_slice %run_scoped3A_4[%rem3A_532, %dma_start3A_535, %dma_start3A_536] : memref<2x128x128xf32, #tpu.memory_space<vmem>> -> memref<1x128x128xf32, #tpu.memory_space<vmem>>
          %dma_start3A_538 = tpu.memref_squeeze %dma_start3A_537 : memref<1x128x128xf32, #tpu.memory_space<vmem>> -> memref<128x128xf32, #tpu.memory_space<vmem>>
          %dma_start3A_539 = arith.constant 0 : i32
          %dma_start3A_540 = tpu.memref_slice %arg5[%mul3A_534, %dma_start3A_539] : memref<16384x128xf32, #tpu.memory_space<hbm>> -> memref<128x128xf32, #tpu.memory_space<hbm>>
          %dma_start3A_541 = tpu.memref_slice %run_scoped3A_5[%rem3A_532] : memref<2x!tpu.dma_semaphore, #tpu.memory_space<semaphore_mem>> -> memref<1x!tpu.dma_semaphore, #tpu.memory_space<semaphore_mem>>
          %dma_start3A_542 = tpu.memref_squeeze %dma_start3A_541 : memref<1x!tpu.dma_semaphore, #tpu.memory_space<semaphore_mem>> -> memref<!tpu.dma_semaphore, #tpu.memory_space<semaphore_mem>>
          %dma_start3A_543 = arith.constant 0 : i32
          %dma_start3A_544 = arith.constant 0 : i32
          %dma_start3A_545 = tpu.memref_slice %run_scoped3A_4[%rem3A_532, %dma_start3A_543, %dma_start3A_544] : memref<2x128x128xf32, #tpu.memory_space<vmem>> -> memref<1x128x128xf32, #tpu.memory_space<vmem>>
          %dma_start3A_546 = tpu.memref_squeeze %dma_start3A_545 : memref<1x128x128xf32, #tpu.memory_space<vmem>> -> memref<128x128xf32, #tpu.memory_space<vmem>>
          %dma_start3A_547 = arith.constant 0 : i32
          %dma_start3A_548 = tpu.memref_slice %arg5[%mul3A_534, %dma_start3A_547] : memref<16384x128xf32, #tpu.memory_space<hbm>> -> memref<128x128xf32, #tpu.memory_space<hbm>>
          tpu.enqueue_dma source(%dma_start3A_548 : memref<128x128xf32, #tpu.memory_space<hbm>>) target(%dma_start3A_546 : memref<128x128xf32, #tpu.memory_space<vmem>>) target_semaphore(%dma_start3A_542 : memref<!tpu.dma_semaphore, #tpu.memory_space<semaphore_mem>>)
          "tpu.trace_stop"() : () -> ()
        } else {
        }
        %and3A_280 = arith.constant true
        %and3A_281 = arith.andi %and3A_276, %and3A_280 : i1
        %add3A_282 = arith.constant 1 : i32
        %add3A_283 = arith.addi %scan3A_203, %add3A_282 : i32
        %select_n3A_284 = arith.select %and3A_281, %add3A_283, %scan3A_203 : i32
        %ne3A_285 = arith.cmpi ne, %add3A_214, %add3A_232 : i32
        %or3A_286 = arith.constant false
        %or3A_287 = arith.ori %or3A_286, %ne3A_285 : i1
        %or3A_288 = arith.constant false
        %or3A_289 = arith.ori %or3A_287, %or3A_288 : i1
        %ge3A_290 = arith.constant 7 : i32
        %ge3A_291 = arith.cmpi sge, %scan3A_198, %ge3A_290 : i32
        %not3A_292 = arith.constant true
        %not3A_293 = arith.xori %ge3A_291, %not3A_292 : i1
        %and3A_294 = arith.andi %or3A_289, %not3A_293 : i1
        %convert_element_type3A_295 = arith.extui %and3A_294 : i1 to i32
        %cond3A_296 = arith.constant 0 : i32
        %cond3A_297 = arith.cmpi ne, %convert_element_type3A_295, %cond3A_296 : i32
        scf.if %cond3A_297 {
          "tpu.trace_start"() <{level = 10 : i32, message = "ep_copy_in"}> : () -> ()
          %rem3A_531 = arith.constant 2 : i32
          %rem3A_532 = arith.remui %scan3A_205, %rem3A_531 : i32
          %mul3A_533 = arith.constant 128 : i32
          %mul3A_534 = arith.muli %mul3A_533, %add3A_232 : i32
          %dma_start3A_535 = arith.constant 0 : i32
          %dma_start3A_536 = arith.constant 0 : i32
          %dma_start3A_537 = tpu.memref_slice %run_scoped3A_6[%rem3A_532, %dma_start3A_535, %dma_start3A_536] : memref<2x128x128xf32, #tpu.memory_space<vmem>> -> memref<1x128x128xf32, #tpu.memory_space<vmem>>
          %dma_start3A_538 = tpu.memref_squeeze %dma_start3A_537 : memref<1x128x128xf32, #tpu.memory_space<vmem>> -> memref<128x128xf32, #tpu.memory_space<vmem>>
          %dma_start3A_539 = arith.constant 0 : i32
          %dma_start3A_540 = tpu.memref_slice %arg6[%mul3A_534, %dma_start3A_539] : memref<16384x128xf32, #tpu.memory_space<hbm>> -> memref<128x128xf32, #tpu.memory_space<hbm>>
          %dma_start3A_541 = tpu.memref_slice %run_scoped3A_7[%rem3A_532] : memref<2x!tpu.dma_semaphore, #tpu.memory_space<semaphore_mem>> -> memref<1x!tpu.dma_semaphore, #tpu.memory_space<semaphore_mem>>
          %dma_start3A_542 = tpu.memref_squeeze %dma_start3A_541 : memref<1x!tpu.dma_semaphore, #tpu.memory_space<semaphore_mem>> -> memref<!tpu.dma_semaphore, #tpu.memory_space<semaphore_mem>>
          %dma_start3A_543 = arith.constant 0 : i32
          %dma_start3A_544 = arith.constant 0 : i32
          %dma_start3A_545 = tpu.memref_slice %run_scoped3A_6[%rem3A_532, %dma_start3A_543, %dma_start3A_544] : memref<2x128x128xf32, #tpu.memory_space<vmem>> -> memref<1x128x128xf32, #tpu.memory_space<vmem>>
          %dma_start3A_546 = tpu.memref_squeeze %dma_start3A_545 : memref<1x128x128xf32, #tpu.memory_space<vmem>> -> memref<128x128xf32, #tpu.memory_space<vmem>>
          %dma_start3A_547 = arith.constant 0 : i32
          %dma_start3A_548 = tpu.memref_slice %arg6[%mul3A_534, %dma_start3A_547] : memref<16384x128xf32, #tpu.memory_space<hbm>> -> memref<128x128xf32, #tpu.memory_space<hbm>>
          tpu.enqueue_dma source(%dma_start3A_548 : memref<128x128xf32, #tpu.memory_space<hbm>>) target(%dma_start3A_546 : memref<128x128xf32, #tpu.memory_space<vmem>>) target_semaphore(%dma_start3A_542 : memref<!tpu.dma_semaphore, #tpu.memory_space<semaphore_mem>>)
          "tpu.trace_stop"() : () -> ()
        } else {
        }
        %and3A_298 = arith.constant true
        %and3A_299 = arith.andi %and3A_294, %and3A_298 : i1
        %add3A_300 = arith.constant 1 : i32
        %add3A_301 = arith.addi %scan3A_205, %add3A_300 : i32
        %select_n3A_302 = arith.select %and3A_299, %add3A_301, %scan3A_205 : i32
        %ne3A_303 = arith.cmpi ne, %add3A_214, %add3A_232 : i32
        %or3A_304 = arith.constant false
        %or3A_305 = arith.ori %or3A_304, %ne3A_303 : i1
        %or3A_306 = arith.constant false
        %or3A_307 = arith.ori %or3A_305, %or3A_306 : i1
        %ge3A_308 = arith.constant 7 : i32
        %ge3A_309 = arith.cmpi sge, %scan3A_198, %ge3A_308 : i32
        %not3A_310 = arith.constant true
        %not3A_311 = arith.xori %ge3A_309, %not3A_310 : i1
        %and3A_312 = arith.andi %or3A_307, %not3A_311 : i1
        %ne3A_313 = arith.cmpi ne, %add3A_214, %add3A_223 : i32
        %or3A_314 = arith.constant false
        %or3A_315 = arith.ori %or3A_314, %ne3A_313 : i1
        %or3A_316 = arith.ori %or3A_315, %eq3A_211 : i1
        %convert_element_type3A_317 = arith.extui %or3A_316 : i1 to i32
        %cond3A_318 = arith.constant 0 : i32
        %cond3A_319 = arith.cmpi ne, %convert_element_type3A_317, %cond3A_318 : i32
        scf.if %cond3A_319 {
          "tpu.trace_start"() <{level = 10 : i32, message = "ep_wait_in"}> : () -> ()
          %mul3A_531 = arith.constant 128 : i32
          %mul3A_532 = arith.muli %mul3A_531, %add3A_214 : i32
          %rem3A_533 = arith.constant 2 : i32
          %rem3A_534 = arith.remui %scan3A_200, %rem3A_533 : i32
          %dma_wait3A_535 = arith.constant 0 : i32
          %dma_wait3A_536 = arith.constant 0 : i32
          %dma_wait3A_537 = tpu.memref_slice %run_scoped3A[%rem3A_534, %dma_wait3A_535, %dma_wait3A_536] : memref<2x1x128xi32, #tpu.memory_space<vmem>> -> memref<1x1x128xi32, #tpu.memory_space<vmem>>
          %dma_wait3A_538 = tpu.memref_squeeze %dma_wait3A_537 : memref<1x1x128xi32, #tpu.memory_space<vmem>> -> memref<1x128xi32, #tpu.memory_space<vmem>>
          %dma_wait3A_539 = arith.constant 0 : i32
          %dma_wait3A_540 = tpu.memref_slice %arg3[%dma_wait3A_539, %mul3A_532] : memref<1x16384xi32, #tpu.memory_space<hbm>> -> memref<1x128xi32, #tpu.memory_space<hbm>>
          %dma_wait3A_541 = tpu.memref_slice %run_scoped3A_1[%rem3A_534] : memref<2x!tpu.dma_semaphore, #tpu.memory_space<semaphore_mem>> -> memref<1x!tpu.dma_semaphore, #tpu.memory_space<semaphore_mem>>
          %dma_wait3A_542 = tpu.memref_squeeze %dma_wait3A_541 : memref<1x!tpu.dma_semaphore, #tpu.memory_space<semaphore_mem>> -> memref<!tpu.dma_semaphore, #tpu.memory_space<semaphore_mem>>
          %dma_wait3A_543 = arith.constant 0 : i32
          %dma_wait3A_544 = arith.constant 0 : i32
          %dma_wait3A_545 = tpu.memref_slice %run_scoped3A[%rem3A_534, %dma_wait3A_543, %dma_wait3A_544] : memref<2x1x128xi32, #tpu.memory_space<vmem>> -> memref<1x1x128xi32, #tpu.memory_space<vmem>>
          %dma_wait3A_546 = tpu.memref_squeeze %dma_wait3A_545 : memref<1x1x128xi32, #tpu.memory_space<vmem>> -> memref<1x128xi32, #tpu.memory_space<vmem>>
          %dma_wait3A_547 = arith.constant 0 : i32
          %dma_wait3A_548 = tpu.memref_slice %arg3[%dma_wait3A_547, %mul3A_532] : memref<1x16384xi32, #tpu.memory_space<hbm>> -> memref<1x128xi32, #tpu.memory_space<hbm>>
          tpu.wait_dma2 semaphore(%dma_wait3A_542 : memref<!tpu.dma_semaphore, #tpu.memory_space<semaphore_mem>>) src(%dma_wait3A_548 : memref<1x128xi32, #tpu.memory_space<hbm>>) dst(%dma_wait3A_546 : memref<1x128xi32, #tpu.memory_space<vmem>>)
          "tpu.trace_stop"() : () -> ()
        } else {
        }
        %ne3A_320 = arith.cmpi ne, %add3A_214, %add3A_223 : i32
        %or3A_321 = arith.constant false
        %or3A_322 = arith.ori %or3A_321, %ne3A_320 : i1
        %or3A_323 = arith.ori %or3A_322, %eq3A_211 : i1
        %convert_element_type3A_324 = arith.extui %or3A_323 : i1 to i32
        %cond3A_325 = arith.constant 0 : i32
        %cond3A_326 = arith.cmpi ne, %convert_element_type3A_324, %cond3A_325 : i32
        scf.if %cond3A_326 {
          "tpu.trace_start"() <{level = 10 : i32, message = "ep_wait_in"}> : () -> ()
          %mul3A_531 = arith.constant 128 : i32
          %mul3A_532 = arith.muli %mul3A_531, %add3A_214 : i32
          %rem3A_533 = arith.constant 2 : i32
          %rem3A_534 = arith.remui %scan3A_202, %rem3A_533 : i32
          %dma_wait3A_535 = arith.constant 0 : i32
          %dma_wait3A_536 = arith.constant 0 : i32
          %dma_wait3A_537 = tpu.memref_slice %run_scoped3A_2[%rem3A_534, %dma_wait3A_535, %dma_wait3A_536] : memref<2x1x128xi32, #tpu.memory_space<vmem>> -> memref<1x1x128xi32, #tpu.memory_space<vmem>>
          %dma_wait3A_538 = tpu.memref_squeeze %dma_wait3A_537 : memref<1x1x128xi32, #tpu.memory_space<vmem>> -> memref<1x128xi32, #tpu.memory_space<vmem>>
          %dma_wait3A_539 = arith.constant 0 : i32
          %dma_wait3A_540 = tpu.memref_slice %arg4[%dma_wait3A_539, %mul3A_532] : memref<1x16384xi32, #tpu.memory_space<hbm>> -> memref<1x128xi32, #tpu.memory_space<hbm>>
          %dma_wait3A_541 = tpu.memref_slice %run_scoped3A_3[%rem3A_534] : memref<2x!tpu.dma_semaphore, #tpu.memory_space<semaphore_mem>> -> memref<1x!tpu.dma_semaphore, #tpu.memory_space<semaphore_mem>>
          %dma_wait3A_542 = tpu.memref_squeeze %dma_wait3A_541 : memref<1x!tpu.dma_semaphore, #tpu.memory_space<semaphore_mem>> -> memref<!tpu.dma_semaphore, #tpu.memory_space<semaphore_mem>>
          %dma_wait3A_543 = arith.constant 0 : i32
          %dma_wait3A_544 = arith.constant 0 : i32
          %dma_wait3A_545 = tpu.memref_slice %run_scoped3A_2[%rem3A_534, %dma_wait3A_543, %dma_wait3A_544] : memref<2x1x128xi32, #tpu.memory_space<vmem>> -> memref<1x1x128xi32, #tpu.memory_space<vmem>>
          %dma_wait3A_546 = tpu.memref_squeeze %dma_wait3A_545 : memref<1x1x128xi32, #tpu.memory_space<vmem>> -> memref<1x128xi32, #tpu.memory_space<vmem>>
          %dma_wait3A_547 = arith.constant 0 : i32
          %dma_wait3A_548 = tpu.memref_slice %arg4[%dma_wait3A_547, %mul3A_532] : memref<1x16384xi32, #tpu.memory_space<hbm>> -> memref<1x128xi32, #tpu.memory_space<hbm>>
          tpu.wait_dma2 semaphore(%dma_wait3A_542 : memref<!tpu.dma_semaphore, #tpu.memory_space<semaphore_mem>>) src(%dma_wait3A_548 : memref<1x128xi32, #tpu.memory_space<hbm>>) dst(%dma_wait3A_546 : memref<1x128xi32, #tpu.memory_space<vmem>>)
          "tpu.trace_stop"() : () -> ()
        } else {
        }
        %ne3A_327 = arith.cmpi ne, %add3A_214, %add3A_223 : i32
        %or3A_328 = arith.constant false
        %or3A_329 = arith.ori %or3A_328, %ne3A_327 : i1
        %or3A_330 = arith.constant false
        %or3A_331 = arith.ori %or3A_329, %or3A_330 : i1
        %or3A_332 = arith.ori %or3A_331, %eq3A_211 : i1
        %convert_element_type3A_333 = arith.extui %or3A_332 : i1 to i32
        %cond3A_334 = arith.constant 0 : i32
        %cond3A_335 = arith.cmpi ne, %convert_element_type3A_333, %cond3A_334 : i32
        scf.if %cond3A_335 {
          "tpu.trace_start"() <{level = 10 : i32, message = "ep_wait_in"}> : () -> ()
          %mul3A_531 = arith.constant 128 : i32
          %mul3A_532 = arith.muli %mul3A_531, %add3A_214 : i32
          %rem3A_533 = arith.constant 2 : i32
          %rem3A_534 = arith.remui %scan3A_204, %rem3A_533 : i32
          %dma_wait3A_535 = arith.constant 0 : i32
          %dma_wait3A_536 = arith.constant 0 : i32
          %dma_wait3A_537 = tpu.memref_slice %run_scoped3A_4[%rem3A_534, %dma_wait3A_535, %dma_wait3A_536] : memref<2x128x128xf32, #tpu.memory_space<vmem>> -> memref<1x128x128xf32, #tpu.memory_space<vmem>>
          %dma_wait3A_538 = tpu.memref_squeeze %dma_wait3A_537 : memref<1x128x128xf32, #tpu.memory_space<vmem>> -> memref<128x128xf32, #tpu.memory_space<vmem>>
          %dma_wait3A_539 = arith.constant 0 : i32
          %dma_wait3A_540 = tpu.memref_slice %arg5[%mul3A_532, %dma_wait3A_539] : memref<16384x128xf32, #tpu.memory_space<hbm>> -> memref<128x128xf32, #tpu.memory_space<hbm>>
          %dma_wait3A_541 = tpu.memref_slice %run_scoped3A_5[%rem3A_534] : memref<2x!tpu.dma_semaphore, #tpu.memory_space<semaphore_mem>> -> memref<1x!tpu.dma_semaphore, #tpu.memory_space<semaphore_mem>>
          %dma_wait3A_542 = tpu.memref_squeeze %dma_wait3A_541 : memref<1x!tpu.dma_semaphore, #tpu.memory_space<semaphore_mem>> -> memref<!tpu.dma_semaphore, #tpu.memory_space<semaphore_mem>>
          %dma_wait3A_543 = arith.constant 0 : i32
          %dma_wait3A_544 = arith.constant 0 : i32
          %dma_wait3A_545 = tpu.memref_slice %run_scoped3A_4[%rem3A_534, %dma_wait3A_543, %dma_wait3A_544] : memref<2x128x128xf32, #tpu.memory_space<vmem>> -> memref<1x128x128xf32, #tpu.memory_space<vmem>>
          %dma_wait3A_546 = tpu.memref_squeeze %dma_wait3A_545 : memref<1x128x128xf32, #tpu.memory_space<vmem>> -> memref<128x128xf32, #tpu.memory_space<vmem>>
          %dma_wait3A_547 = arith.constant 0 : i32
          %dma_wait3A_548 = tpu.memref_slice %arg5[%mul3A_532, %dma_wait3A_547] : memref<16384x128xf32, #tpu.memory_space<hbm>> -> memref<128x128xf32, #tpu.memory_space<hbm>>
          tpu.wait_dma2 semaphore(%dma_wait3A_542 : memref<!tpu.dma_semaphore, #tpu.memory_space<semaphore_mem>>) src(%dma_wait3A_548 : memref<128x128xf32, #tpu.memory_space<hbm>>) dst(%dma_wait3A_546 : memref<128x128xf32, #tpu.memory_space<vmem>>)
          "tpu.trace_stop"() : () -> ()
        } else {
        }
        %ne3A_336 = arith.cmpi ne, %add3A_214, %add3A_223 : i32
        %or3A_337 = arith.constant false
        %or3A_338 = arith.ori %or3A_337, %ne3A_336 : i1
        %or3A_339 = arith.constant false
        %or3A_340 = arith.ori %or3A_338, %or3A_339 : i1
        %or3A_341 = arith.ori %or3A_340, %eq3A_211 : i1
        %convert_element_type3A_342 = arith.extui %or3A_341 : i1 to i32
        %cond3A_343 = arith.constant 0 : i32
        %cond3A_344 = arith.cmpi ne, %convert_element_type3A_342, %cond3A_343 : i32
        scf.if %cond3A_344 {
          "tpu.trace_start"() <{level = 10 : i32, message = "ep_wait_in"}> : () -> ()
          %mul3A_531 = arith.constant 128 : i32
          %mul3A_532 = arith.muli %mul3A_531, %add3A_214 : i32
          %rem3A_533 = arith.constant 2 : i32
          %rem3A_534 = arith.remui %scan3A_206, %rem3A_533 : i32
          %dma_wait3A_535 = arith.constant 0 : i32
          %dma_wait3A_536 = arith.constant 0 : i32
          %dma_wait3A_537 = tpu.memref_slice %run_scoped3A_6[%rem3A_534, %dma_wait3A_535, %dma_wait3A_536] : memref<2x128x128xf32, #tpu.memory_space<vmem>> -> memref<1x128x128xf32, #tpu.memory_space<vmem>>
          %dma_wait3A_538 = tpu.memref_squeeze %dma_wait3A_537 : memref<1x128x128xf32, #tpu.memory_space<vmem>> -> memref<128x128xf32, #tpu.memory_space<vmem>>
          %dma_wait3A_539 = arith.constant 0 : i32
          %dma_wait3A_540 = tpu.memref_slice %arg6[%mul3A_532, %dma_wait3A_539] : memref<16384x128xf32, #tpu.memory_space<hbm>> -> memref<128x128xf32, #tpu.memory_space<hbm>>
          %dma_wait3A_541 = tpu.memref_slice %run_scoped3A_7[%rem3A_534] : memref<2x!tpu.dma_semaphore, #tpu.memory_space<semaphore_mem>> -> memref<1x!tpu.dma_semaphore, #tpu.memory_space<semaphore_mem>>
          %dma_wait3A_542 = tpu.memref_squeeze %dma_wait3A_541 : memref<1x!tpu.dma_semaphore, #tpu.memory_space<semaphore_mem>> -> memref<!tpu.dma_semaphore, #tpu.memory_space<semaphore_mem>>
          %dma_wait3A_543 = arith.constant 0 : i32
          %dma_wait3A_544 = arith.constant 0 : i32
          %dma_wait3A_545 = tpu.memref_slice %run_scoped3A_6[%rem3A_534, %dma_wait3A_543, %dma_wait3A_544] : memref<2x128x128xf32, #tpu.memory_space<vmem>> -> memref<1x128x128xf32, #tpu.memory_space<vmem>>
          %dma_wait3A_546 = tpu.memref_squeeze %dma_wait3A_545 : memref<1x128x128xf32, #tpu.memory_space<vmem>> -> memref<128x128xf32, #tpu.memory_space<vmem>>
          %dma_wait3A_547 = arith.constant 0 : i32
          %dma_wait3A_548 = tpu.memref_slice %arg6[%mul3A_532, %dma_wait3A_547] : memref<16384x128xf32, #tpu.memory_space<hbm>> -> memref<128x128xf32, #tpu.memory_space<hbm>>
          tpu.wait_dma2 semaphore(%dma_wait3A_542 : memref<!tpu.dma_semaphore, #tpu.memory_space<semaphore_mem>>) src(%dma_wait3A_548 : memref<128x128xf32, #tpu.memory_space<hbm>>) dst(%dma_wait3A_546 : memref<128x128xf32, #tpu.memory_space<vmem>>)
          "tpu.trace_stop"() : () -> ()
        } else {
        }
        %ne3A_345 = arith.cmpi ne, %add3A_214, %add3A_223 : i32
        %or3A_346 = arith.constant false
        %or3A_347 = arith.ori %or3A_346, %ne3A_345 : i1
        %or3A_348 = arith.constant false
        %or3A_349 = arith.ori %or3A_347, %or3A_348 : i1
        %or3A_350 = arith.ori %or3A_349, %eq3A_211 : i1
        %convert_element_type3A_351 = arith.extui %or3A_350 : i1 to i32
        %cond3A_352 = arith.constant 0 : i32
        %cond3A_353 = arith.cmpi ne, %convert_element_type3A_351, %cond3A_352 : i32
        scf.if %cond3A_353 {
        } else {
        }
        %rem3A_354 = arith.constant 2 : i32
        %rem3A_355 = arith.remui %scan3A_200, %rem3A_354 : i32
        %rem3A_356 = arith.constant 2 : i32
        %rem3A_357 = arith.remui %scan3A_202, %rem3A_356 : i32
        %rem3A_358 = arith.constant 2 : i32
        %rem3A_359 = arith.remui %scan3A_204, %rem3A_358 : i32
        %rem3A_360 = arith.constant 2 : i32
        %rem3A_361 = arith.remui %scan3A_206, %rem3A_360 : i32
        %rem3A_362 = arith.constant 2 : i32
        %rem3A_363 = arith.remui %scan3A_207, %rem3A_362 : i32
        %run_scoped3A_364 = arith.constant 0 : i32
        "tpu.trace_start"() <{level = 10 : i32, message = "ep_run_kernel"}> : () -> ()
        "tpu.region"() ({
          %run_scoped3A_531 = tpu.sem_alloc : memref<!tpu.dma_semaphore, #tpu.memory_space<semaphore_mem>>
          %dma_start3A_532 = arith.constant 0 : i32
          %dma_start3A_533 = arith.constant 0 : i32
          %dma_start3A_534 = tpu.memref_slice %run_scoped3A[%rem3A_355, %dma_start3A_532, %dma_start3A_533] : memref<2x1x128xi32, #tpu.memory_space<vmem>> -> memref<1x1x128xi32, #tpu.memory_space<vmem>>
          %dma_start3A_535 = tpu.memref_squeeze %dma_start3A_534 : memref<1x1x128xi32, #tpu.memory_space<vmem>> -> memref<1x128xi32, #tpu.memory_space<vmem>>
          %dma_start3A_536 = arith.constant 0 : i32
          %dma_start3A_537 = tpu.memref_slice %dma_start3A_535[%run_scoped3A_364, %dma_start3A_536] : memref<1x128xi32, #tpu.memory_space<vmem>> -> memref<1x128xi32, #tpu.memory_space<vmem>>
          %dma_start3A_538 = tpu.memref_squeeze %dma_start3A_537 : memref<1x128xi32, #tpu.memory_space<vmem>> -> memref<128xi32, #tpu.memory_space<vmem>>
          %dma_start3A_539 = arith.constant 0 : i32
          %dma_start3A_540 = arith.constant 0 : i32
          %dma_start3A_541 = tpu.memref_slice %arg2[%dma_start3A_539, %dma_start3A_540] : memref<262144x128xf32, #tpu.memory_space<hbm>> -> memref<262144x128xf32, #tpu.memory_space<hbm>>
          tpu.enqueue_indirect_dma source(%dma_start3A_541 : memref<262144x128xf32, #tpu.memory_space<hbm>>) target(%arg9 : memref<128x128xf32, #tpu.memory_space<vmem>>) offsets(%dma_start3A_538 : memref<128xi32, #tpu.memory_space<vmem>>) semaphore(%run_scoped3A_531 : memref<!tpu.dma_semaphore, #tpu.memory_space<semaphore_mem>>)
          %dma_wait3A_542 = arith.constant 0 : i32
          %dma_wait3A_543 = arith.constant 0 : i32
          %dma_wait3A_544 = tpu.memref_slice %run_scoped3A[%rem3A_355, %dma_wait3A_542, %dma_wait3A_543] : memref<2x1x128xi32, #tpu.memory_space<vmem>> -> memref<1x1x128xi32, #tpu.memory_space<vmem>>
          %dma_wait3A_545 = tpu.memref_squeeze %dma_wait3A_544 : memref<1x1x128xi32, #tpu.memory_space<vmem>> -> memref<1x128xi32, #tpu.memory_space<vmem>>
          %dma_wait3A_546 = arith.constant 0 : i32
          %dma_wait3A_547 = tpu.memref_slice %dma_wait3A_545[%run_scoped3A_364, %dma_wait3A_546] : memref<1x128xi32, #tpu.memory_space<vmem>> -> memref<1x128xi32, #tpu.memory_space<vmem>>
          %dma_wait3A_548 = tpu.memref_squeeze %dma_wait3A_547 : memref<1x128xi32, #tpu.memory_space<vmem>> -> memref<128xi32, #tpu.memory_space<vmem>>
          %dma_wait3A_549 = arith.constant 0 : i32
          %dma_wait3A_550 = arith.constant 0 : i32
          %dma_wait3A_551 = tpu.memref_slice %arg2[%dma_wait3A_549, %dma_wait3A_550] : memref<262144x128xf32, #tpu.memory_space<hbm>> -> memref<262144x128xf32, #tpu.memory_space<hbm>>
          tpu.wait_indirect_dma semaphore(%run_scoped3A_531 : memref<!tpu.dma_semaphore, #tpu.memory_space<semaphore_mem>>) src(%dma_wait3A_551 : memref<262144x128xf32, #tpu.memory_space<hbm>>) dst(%arg9 : memref<128x128xf32, #tpu.memory_space<vmem>>)
          tpu.yield
        }) : () -> ()
        %scan3A_365 = arith.constant 0 : i32
        %scan3A_366 = arith.constant 0 : i32
        %scan3A_367 = arith.constant 128 : i32
        %scan3A_368 = arith.addi %scan3A_366, %scan3A_367 : i32
        %scan3A_369 = arith.constant 1 : i32
        scf.for %scan3A_531 = %scan3A_366 to %scan3A_368 step %scan3A_369  : i32 {
          %get3A = arith.constant 0 : i32
          %get3A_532 = arith.constant 0 : i32
          %get3A_533 = tpu.memref_slice %run_scoped3A_4[%rem3A_359, %get3A, %get3A_532] : memref<2x128x128xf32, #tpu.memory_space<vmem>> -> memref<1x128x128xf32, #tpu.memory_space<vmem>>
          %get3A_534 = tpu.memref_squeeze %get3A_533 : memref<1x128x128xf32, #tpu.memory_space<vmem>> -> memref<128x128xf32, #tpu.memory_space<vmem>>
          %get3A_535 = arith.index_cast %scan3A_531 : i32 to index
          %get3A_536 = arith.constant 0 : index
          %get3A_537 = tpu.vector_load %get3A_534[%get3A_535, %get3A_536] {strides = array<i32>} : memref<128x128xf32, #tpu.memory_space<vmem>>, vector<1x16xf32>,
          %get3A_538 = vector.shape_cast %get3A_537 : vector<1x16xf32> to vector<16xf32>
          %get3A_539 = arith.index_cast %scan3A_531 : i32 to index
          %get3A_540 = arith.constant 0 : index
          %get3A_541 = tpu.vector_load %arg9[%get3A_539, %get3A_540] {strides = array<i32>} : memref<128x128xf32, #tpu.memory_space<vmem>>, vector<1x16xf32>,
          %get3A_542 = vector.shape_cast %get3A_541 : vector<1x16xf32> to vector<16xf32>
          %mul3A_543 = arith.mulf %get3A_538, %get3A_542 : vector<16xf32>
          %get3A_544 = arith.constant 0 : i32
          %get3A_545 = arith.constant 0 : i32
          %get3A_546 = tpu.memref_slice %run_scoped3A_6[%rem3A_361, %get3A_544, %get3A_545] : memref<2x128x128xf32, #tpu.memory_space<vmem>> -> memref<1x128x128xf32, #tpu.memory_space<vmem>>
          %get3A_547 = tpu.memref_squeeze %get3A_546 : memref<1x128x128xf32, #tpu.memory_space<vmem>> -> memref<128x128xf32, #tpu.memory_space<vmem>>
          %get3A_548 = arith.index_cast %scan3A_531 : i32 to index
          %get3A_549 = arith.constant 0 : index
          %get3A_550 = tpu.vector_load %get3A_547[%get3A_548, %get3A_549] {strides = array<i32>} : memref<128x128xf32, #tpu.memory_space<vmem>>, vector<1x16xf32>,
          %get3A_551 = vector.shape_cast %get3A_550 : vector<1x16xf32> to vector<16xf32>
          %add3A_552 = arith.addf %mul3A_543, %get3A_551 : vector<16xf32>
          %swap3A = arith.index_cast %scan3A_531 : i32 to index
          %swap3A_553 = arith.constant 0 : index
          %swap3A_554 = tpu.vector_load %arg9[%swap3A, %swap3A_553] {strides = array<i32>} : memref<128x128xf32, #tpu.memory_space<vmem>>, vector<1x16xf32>,
          %swap3A_555 = vector.shape_cast %swap3A_554 : vector<1x16xf32> to vector<16xf32>
          %swap3A_556 = vector.shape_cast %add3A_552 : vector<16xf32> to vector<1x16xf32>
          tpu.vector_store %arg9[%swap3A, %swap3A_553], %swap3A_556 {strides = array<i32>} : memref<128x128xf32, #tpu.memory_space<vmem>>, vector<1x16xf32>,
          %get3A_557 = arith.constant 0 : i32
          %get3A_558 = arith.constant 0 : i32
          %get3A_559 = tpu.memref_slice %run_scoped3A_4[%rem3A_359, %get3A_557, %get3A_558] : memref<2x128x128xf32, #tpu.memory_space<vmem>> -> memref<1x128x128xf32, #tpu.memory_space<vmem>>
          %get3A_560 = tpu.memref_squeeze %get3A_559 : memref<1x128x128xf32, #tpu.memory_space<vmem>> -> memref<128x128xf32, #tpu.memory_space<vmem>>
          %get3A_561 = arith.index_cast %scan3A_531 : i32 to index
          %get3A_562 = arith.constant 16 : index
          %get3A_563 = tpu.vector_load %get3A_560[%get3A_561, %get3A_562] {strides = array<i32>} : memref<128x128xf32, #tpu.memory_space<vmem>>, vector<1x16xf32>,
          %get3A_564 = vector.shape_cast %get3A_563 : vector<1x16xf32> to vector<16xf32>
          %get3A_565 = arith.index_cast %scan3A_531 : i32 to index
          %get3A_566 = arith.constant 16 : index
          %get3A_567 = tpu.vector_load %arg9[%get3A_565, %get3A_566] {strides = array<i32>} : memref<128x128xf32, #tpu.memory_space<vmem>>, vector<1x16xf32>,
          %get3A_568 = vector.shape_cast %get3A_567 : vector<1x16xf32> to vector<16xf32>
          %mul3A_569 = arith.mulf %get3A_564, %get3A_568 : vector<16xf32>
          %get3A_570 = arith.constant 0 : i32
          %get3A_571 = arith.constant 0 : i32
          %get3A_572 = tpu.memref_slice %run_scoped3A_6[%rem3A_361, %get3A_570, %get3A_571] : memref<2x128x128xf32, #tpu.memory_space<vmem>> -> memref<1x128x128xf32, #tpu.memory_space<vmem>>
          %get3A_573 = tpu.memref_squeeze %get3A_572 : memref<1x128x128xf32, #tpu.memory_space<vmem>> -> memref<128x128xf32, #tpu.memory_space<vmem>>
          %get3A_574 = arith.index_cast %scan3A_531 : i32 to index
          %get3A_575 = arith.constant 16 : index
          %get3A_576 = tpu.vector_load %get3A_573[%get3A_574, %get3A_575] {strides = array<i32>} : memref<128x128xf32, #tpu.memory_space<vmem>>, vector<1x16xf32>,
          %get3A_577 = vector.shape_cast %get3A_576 : vector<1x16xf32> to vector<16xf32>
          %add3A_578 = arith.addf %mul3A_569, %get3A_577 : vector<16xf32>
          %swap3A_579 = arith.index_cast %scan3A_531 : i32 to index
          %swap3A_580 = arith.constant 16 : index
          %swap3A_581 = tpu.vector_load %arg9[%swap3A_579, %swap3A_580] {strides = array<i32>} : memref<128x128xf32, #tpu.memory_space<vmem>>, vector<1x16xf32>,
          %swap3A_582 = vector.shape_cast %swap3A_581 : vector<1x16xf32> to vector<16xf32>
          %swap3A_583 = vector.shape_cast %add3A_578 : vector<16xf32> to vector<1x16xf32>
          tpu.vector_store %arg9[%swap3A_579, %swap3A_580], %swap3A_583 {strides = array<i32>} : memref<128x128xf32, #tpu.memory_space<vmem>>, vector<1x16xf32>,
          %get3A_584 = arith.constant 0 : i32
          %get3A_585 = arith.constant 0 : i32
          %get3A_586 = tpu.memref_slice %run_scoped3A_4[%rem3A_359, %get3A_584, %get3A_585] : memref<2x128x128xf32, #tpu.memory_space<vmem>> -> memref<1x128x128xf32, #tpu.memory_space<vmem>>
          %get3A_587 = tpu.memref_squeeze %get3A_586 : memref<1x128x128xf32, #tpu.memory_space<vmem>> -> memref<128x128xf32, #tpu.memory_space<vmem>>
          %get3A_588 = arith.index_cast %scan3A_531 : i32 to index
          %get3A_589 = arith.constant 32 : index
          %get3A_590 = tpu.vector_load %get3A_587[%get3A_588, %get3A_589] {strides = array<i32>} : memref<128x128xf32, #tpu.memory_space<vmem>>, vector<1x16xf32>,
          %get3A_591 = vector.shape_cast %get3A_590 : vector<1x16xf32> to vector<16xf32>
          %get3A_592 = arith.index_cast %scan3A_531 : i32 to index
          %get3A_593 = arith.constant 32 : index
          %get3A_594 = tpu.vector_load %arg9[%get3A_592, %get3A_593] {strides = array<i32>} : memref<128x128xf32, #tpu.memory_space<vmem>>, vector<1x16xf32>,
          %get3A_595 = vector.shape_cast %get3A_594 : vector<1x16xf32> to vector<16xf32>
          %mul3A_596 = arith.mulf %get3A_591, %get3A_595 : vector<16xf32>
          %get3A_597 = arith.constant 0 : i32
          %get3A_598 = arith.constant 0 : i32
          %get3A_599 = tpu.memref_slice %run_scoped3A_6[%rem3A_361, %get3A_597, %get3A_598] : memref<2x128x128xf32, #tpu.memory_space<vmem>> -> memref<1x128x128xf32, #tpu.memory_space<vmem>>
          %get3A_600 = tpu.memref_squeeze %get3A_599 : memref<1x128x128xf32, #tpu.memory_space<vmem>> -> memref<128x128xf32, #tpu.memory_space<vmem>>
          %get3A_601 = arith.index_cast %scan3A_531 : i32 to index
          %get3A_602 = arith.constant 32 : index
          %get3A_603 = tpu.vector_load %get3A_600[%get3A_601, %get3A_602] {strides = array<i32>} : memref<128x128xf32, #tpu.memory_space<vmem>>, vector<1x16xf32>,
          %get3A_604 = vector.shape_cast %get3A_603 : vector<1x16xf32> to vector<16xf32>
          %add3A_605 = arith.addf %mul3A_596, %get3A_604 : vector<16xf32>
          %swap3A_606 = arith.index_cast %scan3A_531 : i32 to index
          %swap3A_607 = arith.constant 32 : index
          %swap3A_608 = tpu.vector_load %arg9[%swap3A_606, %swap3A_607] {strides = array<i32>} : memref<128x128xf32, #tpu.memory_space<vmem>>, vector<1x16xf32>,
          %swap3A_609 = vector.shape_cast %swap3A_608 : vector<1x16xf32> to vector<16xf32>
          %swap3A_610 = vector.shape_cast %add3A_605 : vector<16xf32> to vector<1x16xf32>
          tpu.vector_store %arg9[%swap3A_606, %swap3A_607], %swap3A_610 {strides = array<i32>} : memref<128x128xf32, #tpu.memory_space<vmem>>, vector<1x16xf32>,
          %get3A_611 = arith.constant 0 : i32
          %get3A_612 = arith.constant 0 : i32
          %get3A_613 = tpu.memref_slice %run_scoped3A_4[%rem3A_359, %get3A_611, %get3A_612] : memref<2x128x128xf32, #tpu.memory_space<vmem>> -> memref<1x128x128xf32, #tpu.memory_space<vmem>>
          %get3A_614 = tpu.memref_squeeze %get3A_613 : memref<1x128x128xf32, #tpu.memory_space<vmem>> -> memref<128x128xf32, #tpu.memory_space<vmem>>
          %get3A_615 = arith.index_cast %scan3A_531 : i32 to index
          %get3A_616 = arith.constant 48 : index
          %get3A_617 = tpu.vector_load %get3A_614[%get3A_615, %get3A_616] {strides = array<i32>} : memref<128x128xf32, #tpu.memory_space<vmem>>, vector<1x16xf32>,
          %get3A_618 = vector.shape_cast %get3A_617 : vector<1x16xf32> to vector<16xf32>
          %get3A_619 = arith.index_cast %scan3A_531 : i32 to index
          %get3A_620 = arith.constant 48 : index
          %get3A_621 = tpu.vector_load %arg9[%get3A_619, %get3A_620] {strides = array<i32>} : memref<128x128xf32, #tpu.memory_space<vmem>>, vector<1x16xf32>,
          %get3A_622 = vector.shape_cast %get3A_621 : vector<1x16xf32> to vector<16xf32>
          %mul3A_623 = arith.mulf %get3A_618, %get3A_622 : vector<16xf32>
          %get3A_624 = arith.constant 0 : i32
          %get3A_625 = arith.constant 0 : i32
          %get3A_626 = tpu.memref_slice %run_scoped3A_6[%rem3A_361, %get3A_624, %get3A_625] : memref<2x128x128xf32, #tpu.memory_space<vmem>> -> memref<1x128x128xf32, #tpu.memory_space<vmem>>
          %get3A_627 = tpu.memref_squeeze %get3A_626 : memref<1x128x128xf32, #tpu.memory_space<vmem>> -> memref<128x128xf32, #tpu.memory_space<vmem>>
          %get3A_628 = arith.index_cast %scan3A_531 : i32 to index
          %get3A_629 = arith.constant 48 : index
          %get3A_630 = tpu.vector_load %get3A_627[%get3A_628, %get3A_629] {strides = array<i32>} : memref<128x128xf32, #tpu.memory_space<vmem>>, vector<1x16xf32>,
          %get3A_631 = vector.shape_cast %get3A_630 : vector<1x16xf32> to vector<16xf32>
          %add3A_632 = arith.addf %mul3A_623, %get3A_631 : vector<16xf32>
          %swap3A_633 = arith.index_cast %scan3A_531 : i32 to index
          %swap3A_634 = arith.constant 48 : index
          %swap3A_635 = tpu.vector_load %arg9[%swap3A_633, %swap3A_634] {strides = array<i32>} : memref<128x128xf32, #tpu.memory_space<vmem>>, vector<1x16xf32>,
          %swap3A_636 = vector.shape_cast %swap3A_635 : vector<1x16xf32> to vector<16xf32>
          %swap3A_637 = vector.shape_cast %add3A_632 : vector<16xf32> to vector<1x16xf32>
          tpu.vector_store %arg9[%swap3A_633, %swap3A_634], %swap3A_637 {strides = array<i32>} : memref<128x128xf32, #tpu.memory_space<vmem>>, vector<1x16xf32>,
          %get3A_638 = arith.constant 0 : i32
          %get3A_639 = arith.constant 0 : i32
          %get3A_640 = tpu.memref_slice %run_scoped3A_4[%rem3A_359, %get3A_638, %get3A_639] : memref<2x128x128xf32, #tpu.memory_space<vmem>> -> memref<1x128x128xf32, #tpu.memory_space<vmem>>
          %get3A_641 = tpu.memref_squeeze %get3A_640 : memref<1x128x128xf32, #tpu.memory_space<vmem>> -> memref<128x128xf32, #tpu.memory_space<vmem>>
          %get3A_642 = arith.index_cast %scan3A_531 : i32 to index
          %get3A_643 = arith.constant 64 : index
          %get3A_644 = tpu.vector_load %get3A_641[%get3A_642, %get3A_643] {strides = array<i32>} : memref<128x128xf32, #tpu.memory_space<vmem>>, vector<1x16xf32>,
          %get3A_645 = vector.shape_cast %get3A_644 : vector<1x16xf32> to vector<16xf32>
          %get3A_646 = arith.index_cast %scan3A_531 : i32 to index
          %get3A_647 = arith.constant 64 : index
          %get3A_648 = tpu.vector_load %arg9[%get3A_646, %get3A_647] {strides = array<i32>} : memref<128x128xf32, #tpu.memory_space<vmem>>, vector<1x16xf32>,
          %get3A_649 = vector.shape_cast %get3A_648 : vector<1x16xf32> to vector<16xf32>
          %mul3A_650 = arith.mulf %get3A_645, %get3A_649 : vector<16xf32>
          %get3A_651 = arith.constant 0 : i32
          %get3A_652 = arith.constant 0 : i32
          %get3A_653 = tpu.memref_slice %run_scoped3A_6[%rem3A_361, %get3A_651, %get3A_652] : memref<2x128x128xf32, #tpu.memory_space<vmem>> -> memref<1x128x128xf32, #tpu.memory_space<vmem>>
          %get3A_654 = tpu.memref_squeeze %get3A_653 : memref<1x128x128xf32, #tpu.memory_space<vmem>> -> memref<128x128xf32, #tpu.memory_space<vmem>>
          %get3A_655 = arith.index_cast %scan3A_531 : i32 to index
          %get3A_656 = arith.constant 64 : index
          %get3A_657 = tpu.vector_load %get3A_654[%get3A_655, %get3A_656] {strides = array<i32>} : memref<128x128xf32, #tpu.memory_space<vmem>>, vector<1x16xf32>,
          %get3A_658 = vector.shape_cast %get3A_657 : vector<1x16xf32> to vector<16xf32>
          %add3A_659 = arith.addf %mul3A_650, %get3A_658 : vector<16xf32>
          %swap3A_660 = arith.index_cast %scan3A_531 : i32 to index
          %swap3A_661 = arith.constant 64 : index
          %swap3A_662 = tpu.vector_load %arg9[%swap3A_660, %swap3A_661] {strides = array<i32>} : memref<128x128xf32, #tpu.memory_space<vmem>>, vector<1x16xf32>,
          %swap3A_663 = vector.shape_cast %swap3A_662 : vector<1x16xf32> to vector<16xf32>
          %swap3A_664 = vector.shape_cast %add3A_659 : vector<16xf32> to vector<1x16xf32>
          tpu.vector_store %arg9[%swap3A_660, %swap3A_661], %swap3A_664 {strides = array<i32>} : memref<128x128xf32, #tpu.memory_space<vmem>>, vector<1x16xf32>,
          %get3A_665 = arith.constant 0 : i32
          %get3A_666 = arith.constant 0 : i32
          %get3A_667 = tpu.memref_slice %run_scoped3A_4[%rem3A_359, %get3A_665, %get3A_666] : memref<2x128x128xf32, #tpu.memory_space<vmem>> -> memref<1x128x128xf32, #tpu.memory_space<vmem>>
          %get3A_668 = tpu.memref_squeeze %get3A_667 : memref<1x128x128xf32, #tpu.memory_space<vmem>> -> memref<128x128xf32, #tpu.memory_space<vmem>>
          %get3A_669 = arith.index_cast %scan3A_531 : i32 to index
          %get3A_670 = arith.constant 80 : index
          %get3A_671 = tpu.vector_load %get3A_668[%get3A_669, %get3A_670] {strides = array<i32>} : memref<128x128xf32, #tpu.memory_space<vmem>>, vector<1x16xf32>,
          %get3A_672 = vector.shape_cast %get3A_671 : vector<1x16xf32> to vector<16xf32>
          %get3A_673 = arith.index_cast %scan3A_531 : i32 to index
          %get3A_674 = arith.constant 80 : index
          %get3A_675 = tpu.vector_load %arg9[%get3A_673, %get3A_674] {strides = array<i32>} : memref<128x128xf32, #tpu.memory_space<vmem>>, vector<1x16xf32>,
          %get3A_676 = vector.shape_cast %get3A_675 : vector<1x16xf32> to vector<16xf32>
          %mul3A_677 = arith.mulf %get3A_672, %get3A_676 : vector<16xf32>
          %get3A_678 = arith.constant 0 : i32
          %get3A_679 = arith.constant 0 : i32
          %get3A_680 = tpu.memref_slice %run_scoped3A_6[%rem3A_361, %get3A_678, %get3A_679] : memref<2x128x128xf32, #tpu.memory_space<vmem>> -> memref<1x128x128xf32, #tpu.memory_space<vmem>>
          %get3A_681 = tpu.memref_squeeze %get3A_680 : memref<1x128x128xf32, #tpu.memory_space<vmem>> -> memref<128x128xf32, #tpu.memory_space<vmem>>
          %get3A_682 = arith.index_cast %scan3A_531 : i32 to index
          %get3A_683 = arith.constant 80 : index
          %get3A_684 = tpu.vector_load %get3A_681[%get3A_682, %get3A_683] {strides = array<i32>} : memref<128x128xf32, #tpu.memory_space<vmem>>, vector<1x16xf32>,
          %get3A_685 = vector.shape_cast %get3A_684 : vector<1x16xf32> to vector<16xf32>
          %add3A_686 = arith.addf %mul3A_677, %get3A_685 : vector<16xf32>
          %swap3A_687 = arith.index_cast %scan3A_531 : i32 to index
          %swap3A_688 = arith.constant 80 : index
          %swap3A_689 = tpu.vector_load %arg9[%swap3A_687, %swap3A_688] {strides = array<i32>} : memref<128x128xf32, #tpu.memory_space<vmem>>, vector<1x16xf32>,
          %swap3A_690 = vector.shape_cast %swap3A_689 : vector<1x16xf32> to vector<16xf32>
          %swap3A_691 = vector.shape_cast %add3A_686 : vector<16xf32> to vector<1x16xf32>
          tpu.vector_store %arg9[%swap3A_687, %swap3A_688], %swap3A_691 {strides = array<i32>} : memref<128x128xf32, #tpu.memory_space<vmem>>, vector<1x16xf32>,
          %get3A_692 = arith.constant 0 : i32
          %get3A_693 = arith.constant 0 : i32
          %get3A_694 = tpu.memref_slice %run_scoped3A_4[%rem3A_359, %get3A_692, %get3A_693] : memref<2x128x128xf32, #tpu.memory_space<vmem>> -> memref<1x128x128xf32, #tpu.memory_space<vmem>>
          %get3A_695 = tpu.memref_squeeze %get3A_694 : memref<1x128x128xf32, #tpu.memory_space<vmem>> -> memref<128x128xf32, #tpu.memory_space<vmem>>
          %get3A_696 = arith.index_cast %scan3A_531 : i32 to index
          %get3A_697 = arith.constant 96 : index
          %get3A_698 = tpu.vector_load %get3A_695[%get3A_696, %get3A_697] {strides = array<i32>} : memref<128x128xf32, #tpu.memory_space<vmem>>, vector<1x16xf32>,
          %get3A_699 = vector.shape_cast %get3A_698 : vector<1x16xf32> to vector<16xf32>
          %get3A_700 = arith.index_cast %scan3A_531 : i32 to index
          %get3A_701 = arith.constant 96 : index
          %get3A_702 = tpu.vector_load %arg9[%get3A_700, %get3A_701] {strides = array<i32>} : memref<128x128xf32, #tpu.memory_space<vmem>>, vector<1x16xf32>,
          %get3A_703 = vector.shape_cast %get3A_702 : vector<1x16xf32> to vector<16xf32>
          %mul3A_704 = arith.mulf %get3A_699, %get3A_703 : vector<16xf32>
          %get3A_705 = arith.constant 0 : i32
          %get3A_706 = arith.constant 0 : i32
          %get3A_707 = tpu.memref_slice %run_scoped3A_6[%rem3A_361, %get3A_705, %get3A_706] : memref<2x128x128xf32, #tpu.memory_space<vmem>> -> memref<1x128x128xf32, #tpu.memory_space<vmem>>
          %get3A_708 = tpu.memref_squeeze %get3A_707 : memref<1x128x128xf32, #tpu.memory_space<vmem>> -> memref<128x128xf32, #tpu.memory_space<vmem>>
          %get3A_709 = arith.index_cast %scan3A_531 : i32 to index
          %get3A_710 = arith.constant 96 : index
          %get3A_711 = tpu.vector_load %get3A_708[%get3A_709, %get3A_710] {strides = array<i32>} : memref<128x128xf32, #tpu.memory_space<vmem>>, vector<1x16xf32>,
          %get3A_712 = vector.shape_cast %get3A_711 : vector<1x16xf32> to vector<16xf32>
          %add3A_713 = arith.addf %mul3A_704, %get3A_712 : vector<16xf32>
          %swap3A_714 = arith.index_cast %scan3A_531 : i32 to index
          %swap3A_715 = arith.constant 96 : index
          %swap3A_716 = tpu.vector_load %arg9[%swap3A_714, %swap3A_715] {strides = array<i32>} : memref<128x128xf32, #tpu.memory_space<vmem>>, vector<1x16xf32>,
          %swap3A_717 = vector.shape_cast %swap3A_716 : vector<1x16xf32> to vector<16xf32>
          %swap3A_718 = vector.shape_cast %add3A_713 : vector<16xf32> to vector<1x16xf32>
          tpu.vector_store %arg9[%swap3A_714, %swap3A_715], %swap3A_718 {strides = array<i32>} : memref<128x128xf32, #tpu.memory_space<vmem>>, vector<1x16xf32>,
          %get3A_719 = arith.constant 0 : i32
          %get3A_720 = arith.constant 0 : i32
          %get3A_721 = tpu.memref_slice %run_scoped3A_4[%rem3A_359, %get3A_719, %get3A_720] : memref<2x128x128xf32, #tpu.memory_space<vmem>> -> memref<1x128x128xf32, #tpu.memory_space<vmem>>
          %get3A_722 = tpu.memref_squeeze %get3A_721 : memref<1x128x128xf32, #tpu.memory_space<vmem>> -> memref<128x128xf32, #tpu.memory_space<vmem>>
          %get3A_723 = arith.index_cast %scan3A_531 : i32 to index
          %get3A_724 = arith.constant 112 : index
          %get3A_725 = tpu.vector_load %get3A_722[%get3A_723, %get3A_724] {strides = array<i32>} : memref<128x128xf32, #tpu.memory_space<vmem>>, vector<1x16xf32>,
          %get3A_726 = vector.shape_cast %get3A_725 : vector<1x16xf32> to vector<16xf32>
          %get3A_727 = arith.index_cast %scan3A_531 : i32 to index
          %get3A_728 = arith.constant 112 : index
          %get3A_729 = tpu.vector_load %arg9[%get3A_727, %get3A_728] {strides = array<i32>} : memref<128x128xf32, #tpu.memory_space<vmem>>, vector<1x16xf32>,
          %get3A_730 = vector.shape_cast %get3A_729 : vector<1x16xf32> to vector<16xf32>
          %mul3A_731 = arith.mulf %get3A_726, %get3A_730 : vector<16xf32>
          %get3A_732 = arith.constant 0 : i32
          %get3A_733 = arith.constant 0 : i32
          %get3A_734 = tpu.memref_slice %run_scoped3A_6[%rem3A_361, %get3A_732, %get3A_733] : memref<2x128x128xf32, #tpu.memory_space<vmem>> -> memref<1x128x128xf32, #tpu.memory_space<vmem>>
          %get3A_735 = tpu.memref_squeeze %get3A_734 : memref<1x128x128xf32, #tpu.memory_space<vmem>> -> memref<128x128xf32, #tpu.memory_space<vmem>>
          %get3A_736 = arith.index_cast %scan3A_531 : i32 to index
          %get3A_737 = arith.constant 112 : index
          %get3A_738 = tpu.vector_load %get3A_735[%get3A_736, %get3A_737] {strides = array<i32>} : memref<128x128xf32, #tpu.memory_space<vmem>>, vector<1x16xf32>,
          %get3A_739 = vector.shape_cast %get3A_738 : vector<1x16xf32> to vector<16xf32>
          %add3A_740 = arith.addf %mul3A_731, %get3A_739 : vector<16xf32>
          %swap3A_741 = arith.index_cast %scan3A_531 : i32 to index
          %swap3A_742 = arith.constant 112 : index
          %swap3A_743 = tpu.vector_load %arg9[%swap3A_741, %swap3A_742] {strides = array<i32>} : memref<128x128xf32, #tpu.memory_space<vmem>>, vector<1x16xf32>,
          %swap3A_744 = vector.shape_cast %swap3A_743 : vector<1x16xf32> to vector<16xf32>
          %swap3A_745 = vector.shape_cast %add3A_740 : vector<16xf32> to vector<1x16xf32>
          tpu.vector_store %arg9[%swap3A_741, %swap3A_742], %swap3A_745 {strides = array<i32>} : memref<128x128xf32, #tpu.memory_space<vmem>>, vector<1x16xf32>,
        }
        %scan3A_370 = arith.constant 128 : i32
        %run_scoped3A_371 = arith.constant 0 : i32
        "tpu.region"() ({
          %run_scoped3A_531 = tpu.sem_alloc : memref<!tpu.dma_semaphore, #tpu.memory_space<semaphore_mem>>
          %dma_start3A_532 = arith.constant 0 : i32
          %dma_start3A_533 = arith.constant 0 : i32
          %dma_start3A_534 = tpu.memref_slice %run_scoped3A[%rem3A_355, %dma_start3A_532, %dma_start3A_533] : memref<2x1x128xi32, #tpu.memory_space<vmem>> -> memref<1x1x128xi32, #tpu.memory_space<vmem>>
          %dma_start3A_535 = tpu.memref_squeeze %dma_start3A_534 : memref<1x1x128xi32, #tpu.memory_space<vmem>> -> memref<1x128xi32, #tpu.memory_space<vmem>>
          %dma_start3A_536 = arith.constant 0 : i32
          %dma_start3A_537 = tpu.memref_slice %dma_start3A_535[%run_scoped3A_371, %dma_start3A_536] : memref<1x128xi32, #tpu.memory_space<vmem>> -> memref<1x128xi32, #tpu.memory_space<vmem>>
          %dma_start3A_538 = tpu.memref_squeeze %dma_start3A_537 : memref<1x128xi32, #tpu.memory_space<vmem>> -> memref<128xi32, #tpu.memory_space<vmem>>
          %dma_start3A_539 = arith.constant 0 : i32
          %dma_start3A_540 = arith.constant 0 : i32
          %dma_start3A_541 = tpu.memref_slice %arg2[%dma_start3A_539, %dma_start3A_540] : memref<262144x128xf32, #tpu.memory_space<hbm>> -> memref<262144x128xf32, #tpu.memory_space<hbm>>
          tpu.enqueue_indirect_dma source(%arg9 : memref<128x128xf32, #tpu.memory_space<vmem>>) target(%dma_start3A_541 : memref<262144x128xf32, #tpu.memory_space<hbm>>) offsets(%dma_start3A_538 : memref<128xi32, #tpu.memory_space<vmem>>) semaphore(%run_scoped3A_531 : memref<!tpu.dma_semaphore, #tpu.memory_space<semaphore_mem>>)
          %dma_wait3A_542 = arith.constant 0 : i32
          %dma_wait3A_543 = arith.constant 0 : i32
          %dma_wait3A_544 = tpu.memref_slice %run_scoped3A[%rem3A_355, %dma_wait3A_542, %dma_wait3A_543] : memref<2x1x128xi32, #tpu.memory_space<vmem>> -> memref<1x1x128xi32, #tpu.memory_space<vmem>>
          %dma_wait3A_545 = tpu.memref_squeeze %dma_wait3A_544 : memref<1x1x128xi32, #tpu.memory_space<vmem>> -> memref<1x128xi32, #tpu.memory_space<vmem>>
          %dma_wait3A_546 = arith.constant 0 : i32
          %dma_wait3A_547 = tpu.memref_slice %dma_wait3A_545[%run_scoped3A_371, %dma_wait3A_546] : memref<1x128xi32, #tpu.memory_space<vmem>> -> memref<1x128xi32, #tpu.memory_space<vmem>>
          %dma_wait3A_548 = tpu.memref_squeeze %dma_wait3A_547 : memref<1x128xi32, #tpu.memory_space<vmem>> -> memref<128xi32, #tpu.memory_space<vmem>>
          %dma_wait3A_549 = arith.constant 0 : i32
          %dma_wait3A_550 = arith.constant 0 : i32
          %dma_wait3A_551 = tpu.memref_slice %arg2[%dma_wait3A_549, %dma_wait3A_550] : memref<262144x128xf32, #tpu.memory_space<hbm>> -> memref<262144x128xf32, #tpu.memory_space<hbm>>
          tpu.wait_indirect_dma semaphore(%run_scoped3A_531 : memref<!tpu.dma_semaphore, #tpu.memory_space<semaphore_mem>>) src(%arg9 : memref<128x128xf32, #tpu.memory_space<vmem>>) dst(%dma_wait3A_551 : memref<262144x128xf32, #tpu.memory_space<hbm>>)
          tpu.yield
        }) : () -> ()
        %run_scoped3A_372 = arith.constant 0 : i32
        "tpu.region"() ({
          %run_scoped3A_531 = tpu.sem_alloc : memref<!tpu.dma_semaphore, #tpu.memory_space<semaphore_mem>>
          %dma_start3A_532 = arith.constant 0 : i32
          %dma_start3A_533 = arith.constant 0 : i32
          %dma_start3A_534 = tpu.memref_slice %run_scoped3A_8[%rem3A_363, %dma_start3A_532, %dma_start3A_533] : memref<2x128x128xf32, #tpu.memory_space<vmem>> -> memref<1x128x128xf32, #tpu.memory_space<vmem>>
          %dma_start3A_535 = tpu.memref_squeeze %dma_start3A_534 : memref<1x128x128xf32, #tpu.memory_space<vmem>> -> memref<128x128xf32, #tpu.memory_space<vmem>>
          %dma_start3A_536 = arith.constant 0 : i32
          %dma_start3A_537 = arith.constant 0 : i32
          %dma_start3A_538 = tpu.memref_slice %run_scoped3A_2[%rem3A_357, %dma_start3A_536, %dma_start3A_537] : memref<2x1x128xi32, #tpu.memory_space<vmem>> -> memref<1x1x128xi32, #tpu.memory_space<vmem>>
          %dma_start3A_539 = tpu.memref_squeeze %dma_start3A_538 : memref<1x1x128xi32, #tpu.memory_space<vmem>> -> memref<1x128xi32, #tpu.memory_space<vmem>>
          %dma_start3A_540 = arith.constant 0 : i32
          %dma_start3A_541 = tpu.memref_slice %dma_start3A_539[%run_scoped3A_372, %dma_start3A_540] : memref<1x128xi32, #tpu.memory_space<vmem>> -> memref<1x128xi32, #tpu.memory_space<vmem>>
          %dma_start3A_542 = tpu.memref_squeeze %dma_start3A_541 : memref<1x128xi32, #tpu.memory_space<vmem>> -> memref<128xi32, #tpu.memory_space<vmem>>
          %dma_start3A_543 = arith.constant 0 : i32
          %dma_start3A_544 = arith.constant 0 : i32
          %dma_start3A_545 = tpu.memref_slice %arg2[%dma_start3A_543, %dma_start3A_544] : memref<262144x128xf32, #tpu.memory_space<hbm>> -> memref<262144x128xf32, #tpu.memory_space<hbm>>
          tpu.enqueue_indirect_dma source(%dma_start3A_545 : memref<262144x128xf32, #tpu.memory_space<hbm>>) target(%dma_start3A_535 : memref<128x128xf32, #tpu.memory_space<vmem>>) offsets(%dma_start3A_542 : memref<128xi32, #tpu.memory_space<vmem>>) semaphore(%run_scoped3A_531 : memref<!tpu.dma_semaphore, #tpu.memory_space<semaphore_mem>>)
          %dma_wait3A_546 = arith.constant 0 : i32
          %dma_wait3A_547 = arith.constant 0 : i32
          %dma_wait3A_548 = tpu.memref_slice %run_scoped3A_8[%rem3A_363, %dma_wait3A_546, %dma_wait3A_547] : memref<2x128x128xf32, #tpu.memory_space<vmem>> -> memref<1x128x128xf32, #tpu.memory_space<vmem>>
          %dma_wait3A_549 = tpu.memref_squeeze %dma_wait3A_548 : memref<1x128x128xf32, #tpu.memory_space<vmem>> -> memref<128x128xf32, #tpu.memory_space<vmem>>
          %dma_wait3A_550 = arith.constant 0 : i32
          %dma_wait3A_551 = arith.constant 0 : i32
          %dma_wait3A_552 = tpu.memref_slice %run_scoped3A_2[%rem3A_357, %dma_wait3A_550, %dma_wait3A_551] : memref<2x1x128xi32, #tpu.memory_space<vmem>> -> memref<1x1x128xi32, #tpu.memory_space<vmem>>
          %dma_wait3A_553 = tpu.memref_squeeze %dma_wait3A_552 : memref<1x1x128xi32, #tpu.memory_space<vmem>> -> memref<1x128xi32, #tpu.memory_space<vmem>>
          %dma_wait3A_554 = arith.constant 0 : i32
          %dma_wait3A_555 = tpu.memref_slice %dma_wait3A_553[%run_scoped3A_372, %dma_wait3A_554] : memref<1x128xi32, #tpu.memory_space<vmem>> -> memref<1x128xi32, #tpu.memory_space<vmem>>
          %dma_wait3A_556 = tpu.memref_squeeze %dma_wait3A_555 : memref<1x128xi32, #tpu.memory_space<vmem>> -> memref<128xi32, #tpu.memory_space<vmem>>
          %dma_wait3A_557 = arith.constant 0 : i32
          %dma_wait3A_558 = arith.constant 0 : i32
          %dma_wait3A_559 = tpu.memref_slice %arg2[%dma_wait3A_557, %dma_wait3A_558] : memref<262144x128xf32, #tpu.memory_space<hbm>> -> memref<262144x128xf32, #tpu.memory_space<hbm>>
          tpu.wait_indirect_dma semaphore(%run_scoped3A_531 : memref<!tpu.dma_semaphore, #tpu.memory_space<semaphore_mem>>) src(%dma_wait3A_559 : memref<262144x128xf32, #tpu.memory_space<hbm>>) dst(%dma_wait3A_549 : memref<128x128xf32, #tpu.memory_space<vmem>>)
          tpu.yield
        }) : () -> ()
        "tpu.trace_stop"() : () -> ()
        %ne3A_373 = arith.cmpi ne, %add3A_214, %add3A_232 : i32
        %or3A_374 = arith.constant false
        %or3A_375 = arith.ori %or3A_374, %ne3A_373 : i1
        %or3A_376 = arith.ori %or3A_375, %eq3A_213 : i1
        %convert_element_type3A_377 = arith.extui %or3A_376 : i1 to i32
        %cond3A_378 = arith.constant 0 : i32
        %cond3A_379 = arith.cmpi ne, %convert_element_type3A_377, %cond3A_378 : i32
        scf.if %cond3A_379 {
        } else {
        }
        %and3A_380 = arith.constant false
        %and3A_381 = arith.andi %or3A_376, %and3A_380 : i1
        %ne3A_382 = arith.cmpi ne, %add3A_214, %add3A_232 : i32
        %or3A_383 = arith.constant false
        %or3A_384 = arith.ori %or3A_383, %ne3A_382 : i1
        %or3A_385 = arith.ori %or3A_384, %eq3A_213 : i1
        %convert_element_type3A_386 = arith.extui %or3A_385 : i1 to i32
        %cond3A_387 = arith.constant 0 : i32
        %cond3A_388 = arith.cmpi ne, %convert_element_type3A_386, %cond3A_387 : i32
        scf.if %cond3A_388 {
        } else {
        }
        %and3A_389 = arith.constant false
        %and3A_390 = arith.andi %or3A_385, %and3A_389 : i1
        %ne3A_391 = arith.cmpi ne, %add3A_214, %add3A_232 : i32
        %or3A_392 = arith.constant false
        %or3A_393 = arith.ori %or3A_392, %ne3A_391 : i1
        %or3A_394 = arith.constant false
        %or3A_395 = arith.ori %or3A_393, %or3A_394 : i1
        %or3A_396 = arith.ori %or3A_395, %eq3A_213 : i1
        %convert_element_type3A_397 = arith.extui %or3A_396 : i1 to i32
        %cond3A_398 = arith.constant 0 : i32
        %cond3A_399 = arith.cmpi ne, %convert_element_type3A_397, %cond3A_398 : i32
        scf.if %cond3A_399 {
        } else {
        }
        %and3A_400 = arith.constant false
        %and3A_401 = arith.andi %or3A_396, %and3A_400 : i1
        %ne3A_402 = arith.cmpi ne, %add3A_214, %add3A_232 : i32
        %or3A_403 = arith.constant false
        %or3A_404 = arith.ori %or3A_403, %ne3A_402 : i1
        %or3A_405 = arith.constant false
        %or3A_406 = arith.ori %or3A_404, %or3A_405 : i1
        %or3A_407 = arith.ori %or3A_406, %eq3A_213 : i1
        %convert_element_type3A_408 = arith.extui %or3A_407 : i1 to i32
        %cond3A_409 = arith.constant 0 : i32
        %cond3A_410 = arith.cmpi ne, %convert_element_type3A_408, %cond3A_409 : i32
        scf.if %cond3A_410 {
        } else {
        }
        %and3A_411 = arith.constant false
        %and3A_412 = arith.andi %or3A_407, %and3A_411 : i1
        %ne3A_413 = arith.cmpi ne, %add3A_214, %add3A_232 : i32
        %or3A_414 = arith.constant false
        %or3A_415 = arith.ori %or3A_414, %ne3A_413 : i1
        %or3A_416 = arith.constant false
        %or3A_417 = arith.ori %or3A_415, %or3A_416 : i1
        %or3A_418 = arith.ori %or3A_417, %eq3A_213 : i1
        %convert_element_type3A_419 = arith.extui %or3A_418 : i1 to i32
        %cond3A_420 = arith.constant 0 : i32
        %cond3A_421 = arith.cmpi ne, %convert_element_type3A_419, %cond3A_420 : i32
        scf.if %cond3A_421 {
          "tpu.trace_start"() <{level = 10 : i32, message = "ep_copy_out"}> : () -> ()
          %rem3A_531 = arith.constant 2 : i32
          %rem3A_532 = arith.remui %scan3A_207, %rem3A_531 : i32
          %mul3A_533 = arith.constant 128 : i32
          %mul3A_534 = arith.muli %mul3A_533, %add3A_214 : i32
          %dma_start3A_535 = arith.constant 0 : i32
          %dma_start3A_536 = arith.constant 0 : i32
          %dma_start3A_537 = tpu.memref_slice %run_scoped3A_8[%rem3A_532, %dma_start3A_535, %dma_start3A_536] : memref<2x128x128xf32, #tpu.memory_space<vmem>> -> memref<1x128x128xf32, #tpu.memory_space<vmem>>
          %dma_start3A_538 = tpu.memref_squeeze %dma_start3A_537 : memref<1x128x128xf32, #tpu.memory_space<vmem>> -> memref<128x128xf32, #tpu.memory_space<vmem>>
          %dma_start3A_539 = arith.constant 0 : i32
          %dma_start3A_540 = tpu.memref_slice %arg7[%mul3A_534, %dma_start3A_539] : memref<16384x128xf32, #tpu.memory_space<hbm>> -> memref<128x128xf32, #tpu.memory_space<hbm>>
          %dma_start3A_541 = tpu.memref_slice %run_scoped3A_9[%rem3A_532] : memref<2x!tpu.dma_semaphore, #tpu.memory_space<semaphore_mem>> -> memref<1x!tpu.dma_semaphore, #tpu.memory_space<semaphore_mem>>
          %dma_start3A_542 = tpu.memref_squeeze %dma_start3A_541 : memref<1x!tpu.dma_semaphore, #tpu.memory_space<semaphore_mem>> -> memref<!tpu.dma_semaphore, #tpu.memory_space<semaphore_mem>>
          %dma_start3A_543 = arith.constant 0 : i32
          %dma_start3A_544 = tpu.memref_slice %arg7[%mul3A_534, %dma_start3A_543] : memref<16384x128xf32, #tpu.memory_space<hbm>> -> memref<128x128xf32, #tpu.memory_space<hbm>>
          %dma_start3A_545 = arith.constant 0 : i32
          %dma_start3A_546 = arith.constant 0 : i32
          %dma_start3A_547 = tpu.memref_slice %run_scoped3A_8[%rem3A_532, %dma_start3A_545, %dma_start3A_546] : memref<2x128x128xf32, #tpu.memory_space<vmem>> -> memref<1x128x128xf32, #tpu.memory_space<vmem>>
          %dma_start3A_548 = tpu.memref_squeeze %dma_start3A_547 : memref<1x128x128xf32, #tpu.memory_space<vmem>> -> memref<128x128xf32, #tpu.memory_space<vmem>>
          tpu.enqueue_dma source(%dma_start3A_548 : memref<128x128xf32, #tpu.memory_space<vmem>>) target(%dma_start3A_544 : memref<128x128xf32, #tpu.memory_space<hbm>>) target_semaphore(%dma_start3A_542 : memref<!tpu.dma_semaphore, #tpu.memory_space<semaphore_mem>>)
          "tpu.trace_stop"() : () -> ()
        } else {
        }
        %and3A_422 = arith.constant true
        %and3A_423 = arith.andi %or3A_418, %and3A_422 : i1
        %add3A_424 = arith.constant 1 : i32
        %add3A_425 = arith.addi %scan3A_207, %add3A_424 : i32
        %select_n3A_426 = arith.select %and3A_423, %add3A_425, %scan3A_207 : i32
        %ne3A_427 = arith.cmpi ne, %add3A_214, %add3A_223 : i32
        %or3A_428 = arith.constant false
        %or3A_429 = arith.ori %or3A_428, %ne3A_427 : i1
        %not3A_430 = arith.constant true
        %not3A_431 = arith.xori %eq3A_211, %not3A_430 : i1
        %and3A_432 = arith.andi %or3A_429, %not3A_431 : i1
        %convert_element_type3A_433 = arith.extui %and3A_432 : i1 to i32
        %cond3A_434 = arith.constant 0 : i32
        %cond3A_435 = arith.cmpi ne, %convert_element_type3A_433, %cond3A_434 : i32
        scf.if %cond3A_435 {
        } else {
        }
        %and3A_436 = arith.constant false
        %and3A_437 = arith.andi %and3A_432, %and3A_436 : i1
        %ne3A_438 = arith.cmpi ne, %add3A_214, %add3A_223 : i32
        %or3A_439 = arith.constant false
        %or3A_440 = arith.ori %or3A_439, %ne3A_438 : i1
        %not3A_441 = arith.constant true
        %not3A_442 = arith.xori %eq3A_211, %not3A_441 : i1
        %and3A_443 = arith.andi %or3A_440, %not3A_442 : i1
        %convert_element_type3A_444 = arith.extui %and3A_443 : i1 to i32
        %cond3A_445 = arith.constant 0 : i32
        %cond3A_446 = arith.cmpi ne, %convert_element_type3A_444, %cond3A_445 : i32
        scf.if %cond3A_446 {
        } else {
        }
        %and3A_447 = arith.constant false
        %and3A_448 = arith.andi %and3A_443, %and3A_447 : i1
        %ne3A_449 = arith.cmpi ne, %add3A_214, %add3A_223 : i32
        %or3A_450 = arith.constant false
        %or3A_451 = arith.ori %or3A_450, %ne3A_449 : i1
        %or3A_452 = arith.constant false
        %or3A_453 = arith.ori %or3A_451, %or3A_452 : i1
        %not3A_454 = arith.constant true
        %not3A_455 = arith.xori %eq3A_211, %not3A_454 : i1
        %and3A_456 = arith.andi %or3A_453, %not3A_455 : i1
        %convert_element_type3A_457 = arith.extui %and3A_456 : i1 to i32
        %cond3A_458 = arith.constant 0 : i32
        %cond3A_459 = arith.cmpi ne, %convert_element_type3A_457, %cond3A_458 : i32
        scf.if %cond3A_459 {
        } else {
        }
        %and3A_460 = arith.constant false
        %and3A_461 = arith.andi %and3A_456, %and3A_460 : i1
        %ne3A_462 = arith.cmpi ne, %add3A_214, %add3A_223 : i32
        %or3A_463 = arith.constant false
        %or3A_464 = arith.ori %or3A_463, %ne3A_462 : i1
        %or3A_465 = arith.constant false
        %or3A_466 = arith.ori %or3A_464, %or3A_465 : i1
        %not3A_467 = arith.constant true
        %not3A_468 = arith.xori %eq3A_211, %not3A_467 : i1
        %and3A_469 = arith.andi %or3A_466, %not3A_468 : i1
        %convert_element_type3A_470 = arith.extui %and3A_469 : i1 to i32
        %cond3A_471 = arith.constant 0 : i32
        %cond3A_472 = arith.cmpi ne, %convert_element_type3A_470, %cond3A_471 : i32
        scf.if %cond3A_472 {
        } else {
        }
        %and3A_473 = arith.constant false
        %and3A_474 = arith.andi %and3A_469, %and3A_473 : i1
        %ne3A_475 = arith.cmpi ne, %add3A_214, %add3A_223 : i32
        %or3A_476 = arith.constant false
        %or3A_477 = arith.ori %or3A_476, %ne3A_475 : i1
        %or3A_478 = arith.constant false
        %or3A_479 = arith.ori %or3A_477, %or3A_478 : i1
        %not3A_480 = arith.constant true
        %not3A_481 = arith.xori %eq3A_211, %not3A_480 : i1
        %and3A_482 = arith.andi %or3A_479, %not3A_481 : i1
        %convert_element_type3A_483 = arith.extui %and3A_482 : i1 to i32
        %cond3A_484 = arith.constant 0 : i32
        %cond3A_485 = arith.cmpi ne, %convert_element_type3A_483, %cond3A_484 : i32
        scf.if %cond3A_485 {
          "tpu.trace_start"() <{level = 10 : i32, message = "ep_wait_out"}> : () -> ()
          %rem3A_531 = arith.constant 2 : i32
          %rem3A_532 = arith.remui %scan3A_208, %rem3A_531 : i32
          %mul3A_533 = arith.constant 128 : i32
          %mul3A_534 = arith.muli %mul3A_533, %add3A_223 : i32
          %dma_wait3A_535 = arith.constant 0 : i32
          %dma_wait3A_536 = arith.constant 0 : i32
          %dma_wait3A_537 = tpu.memref_slice %run_scoped3A_8[%rem3A_532, %dma_wait3A_535, %dma_wait3A_536] : memref<2x128x128xf32, #tpu.memory_space<vmem>> -> memref<1x128x128xf32, #tpu.memory_space<vmem>>
          %dma_wait3A_538 = tpu.memref_squeeze %dma_wait3A_537 : memref<1x128x128xf32, #tpu.memory_space<vmem>> -> memref<128x128xf32, #tpu.memory_space<vmem>>
          %dma_wait3A_539 = arith.constant 0 : i32
          %dma_wait3A_540 = tpu.memref_slice %arg7[%mul3A_534, %dma_wait3A_539] : memref<16384x128xf32, #tpu.memory_space<hbm>> -> memref<128x128xf32, #tpu.memory_space<hbm>>
          %dma_wait3A_541 = tpu.memref_slice %run_scoped3A_9[%rem3A_532] : memref<2x!tpu.dma_semaphore, #tpu.memory_space<semaphore_mem>> -> memref<1x!tpu.dma_semaphore, #tpu.memory_space<semaphore_mem>>
          %dma_wait3A_542 = tpu.memref_squeeze %dma_wait3A_541 : memref<1x!tpu.dma_semaphore, #tpu.memory_space<semaphore_mem>> -> memref<!tpu.dma_semaphore, #tpu.memory_space<semaphore_mem>>
          %dma_wait3A_543 = arith.constant 0 : i32
          %dma_wait3A_544 = tpu.memref_slice %arg7[%mul3A_534, %dma_wait3A_543] : memref<16384x128xf32, #tpu.memory_space<hbm>> -> memref<128x128xf32, #tpu.memory_space<hbm>>
          %dma_wait3A_545 = arith.constant 0 : i32
          %dma_wait3A_546 = arith.constant 0 : i32
          %dma_wait3A_547 = tpu.memref_slice %run_scoped3A_8[%rem3A_532, %dma_wait3A_545, %dma_wait3A_546] : memref<2x128x128xf32, #tpu.memory_space<vmem>> -> memref<1x128x128xf32, #tpu.memory_space<vmem>>
          %dma_wait3A_548 = tpu.memref_squeeze %dma_wait3A_547 : memref<1x128x128xf32, #tpu.memory_space<vmem>> -> memref<128x128xf32, #tpu.memory_space<vmem>>
          tpu.wait_dma2 semaphore(%dma_wait3A_542 : memref<!tpu.dma_semaphore, #tpu.memory_space<semaphore_mem>>) src(%dma_wait3A_548 : memref<128x128xf32, #tpu.memory_space<vmem>>) dst(%dma_wait3A_544 : memref<128x128xf32, #tpu.memory_space<hbm>>)
          "tpu.trace_stop"() : () -> ()
        } else {
        }
        %and3A_486 = arith.constant true
        %and3A_487 = arith.andi %and3A_482, %and3A_486 : i1
        %add3A_488 = arith.constant 1 : i32
        %add3A_489 = arith.addi %scan3A_208, %add3A_488 : i32
        %select_n3A_490 = arith.select %and3A_487, %add3A_489, %scan3A_208 : i32
        %ne3A_491 = arith.cmpi ne, %add3A_214, %add3A_232 : i32
        %or3A_492 = arith.constant false
        %or3A_493 = arith.ori %or3A_492, %ne3A_491 : i1
        %or3A_494 = arith.ori %or3A_493, %eq3A_213 : i1
        %add3A_495 = arith.constant 1 : i32
        %add3A_496 = arith.addi %scan3A_200, %add3A_495 : i32
        %select_n3A_497 = arith.select %or3A_494, %add3A_496, %scan3A_200 : i32
        %ne3A_498 = arith.cmpi ne, %add3A_214, %add3A_232 : i32
        %or3A_499 = arith.constant false
        %or3A_500 = arith.ori %or3A_499, %ne3A_498 : i1
        %or3A_501 = arith.ori %or3A_500, %eq3A_213 : i1
        %add3A_502 = arith.constant 1 : i32
        %add3A_503 = arith.addi %scan3A_202, %add3A_502 : i32
        %select_n3A_504 = arith.select %or3A_501, %add3A_503, %scan3A_202 : i32
        %ne3A_505 = arith.cmpi ne, %add3A_214, %add3A_232 : i32
        %or3A_506 = arith.constant false
        %or3A_507 = arith.ori %or3A_506, %ne3A_505 : i1
        %or3A_508 = arith.constant false
        %or3A_509 = arith.ori %or3A_507, %or3A_508 : i1
        %or3A_510 = arith.ori %or3A_509, %eq3A_213 : i1
        %add3A_511 = arith.constant 1 : i32
        %add3A_512 = arith.addi %scan3A_204, %add3A_511 : i32
        %select_n3A_513 = arith.select %or3A_510, %add3A_512, %scan3A_204 : i32
        %ne3A_514 = arith.cmpi ne, %add3A_214, %add3A_232 : i32
        %or3A_515 = arith.constant false
        %or3A_516 = arith.ori %or3A_515, %ne3A_514 : i1
        %or3A_517 = arith.constant false
        %or3A_518 = arith.ori %or3A_516, %or3A_517 : i1
        %or3A_519 = arith.ori %or3A_518, %eq3A_213 : i1
        %add3A_520 = arith.constant 1 : i32
        %add3A_521 = arith.addi %scan3A_206, %add3A_520 : i32
        %select_n3A_522 = arith.select %or3A_519, %add3A_521, %scan3A_206 : i32
        %add3A_523 = arith.constant 1 : i32
        %add3A_524 = arith.addi %scan3A_209, %add3A_523 : i32
        %select_n3A_525 = arith.constant true
        %select_n3A_526 = arith.select %select_n3A_525, %add3A_524, %scan3A_209 : i32
        %eq3A_527 = arith.constant 8 : i32
        %eq3A_528 = arith.cmpi eq, %select_n3A_526, %eq3A_527 : i32
        %select_n3A_529 = arith.constant 0 : i32
        %select_n3A_530 = arith.select %eq3A_528, %select_n3A_529, %select_n3A_526 : i32
        scf.yield %select_n3A_250, %select_n3A_497, %select_n3A_266, %select_n3A_504, %select_n3A_284, %select_n3A_513, %select_n3A_302, %select_n3A_522, %select_n3A_426, %select_n3A_490, %select_n3A_530 : i32, i32, i32, i32, i32, i32, i32, i32, i32, i32, i32
      }
      %scan3A_145 = arith.constant 8 : i32
      %sub3A = arith.constant 1 : i32
      %sub3A_146 = arith.subi %scan3A_144#10, %sub3A : i32
      %select_n3A_147 = arith.constant true
      %select_n3A_148 = arith.select %select_n3A_147, %sub3A_146, %scan3A_144#10 : i32
      %eq3A_149 = arith.constant -1 : i32
      %eq3A_150 = arith.cmpi eq, %select_n3A_148, %eq3A_149 : i32
      %select_n3A_151 = arith.constant 7 : i32
      %select_n3A_152 = arith.select %eq3A_150, %select_n3A_151, %select_n3A_148 : i32
      %add3A_153 = arith.addi %select_n3A_152, %mul3A_0 : i32
      %sub3A_154 = arith.constant 1 : i32
      %sub3A_155 = arith.subi %select_n3A_152, %sub3A_154 : i32
      %select_n3A_156 = arith.constant true
      %select_n3A_157 = arith.select %select_n3A_156, %sub3A_155, %select_n3A_152 : i32
      %eq3A_158 = arith.constant -1 : i32
      %eq3A_159 = arith.cmpi eq, %select_n3A_157, %eq3A_158 : i32
      %select_n3A_160 = arith.constant 7 : i32
      %select_n3A_161 = arith.select %eq3A_159, %select_n3A_160, %select_n3A_157 : i32
      %add3A_162 = arith.addi %select_n3A_161, %mul3A_0 : i32
      %add3A_163 = arith.constant 1 : i32
      %add3A_164 = arith.addi %select_n3A_152, %add3A_163 : i32
      %select_n3A_165 = arith.constant true
      %select_n3A_166 = arith.select %select_n3A_165, %add3A_164, %select_n3A_152 : i32
      %eq3A_167 = arith.constant 8 : i32
      %eq3A_168 = arith.cmpi eq, %select_n3A_166, %eq3A_167 : i32
      %select_n3A_169 = arith.constant 0 : i32
      %select_n3A_170 = arith.select %eq3A_168, %select_n3A_169, %select_n3A_166 : i32
      %add3A_171 = arith.addi %select_n3A_170, %mul3A_0 : i32
      %add3A_172 = arith.constant 1 : i32
      %add3A_173 = arith.addi %select_n3A_170, %add3A_172 : i32
      %select_n3A_174 = arith.constant true
      %select_n3A_175 = arith.select %select_n3A_174, %add3A_173, %select_n3A_170 : i32
      %eq3A_176 = arith.constant 8 : i32
      %eq3A_177 = arith.cmpi eq, %select_n3A_175, %eq3A_176 : i32
      %select_n3A_178 = arith.constant 0 : i32
      %select_n3A_179 = arith.select %eq3A_177, %select_n3A_178, %select_n3A_175 : i32
      %add3A_180 = arith.addi %select_n3A_179, %mul3A_0 : i32
      "tpu.trace_start"() <{level = 10 : i32, message = "ep_finalize"}> : () -> ()
      %rem3A_181 = arith.constant 2 : i32
      %rem3A_182 = arith.remui %scan3A_144#9, %rem3A_181 : i32
      %mul3A_183 = arith.constant 128 : i32
      %mul3A_184 = arith.muli %mul3A_183, %add3A_153 : i32
      %dma_wait3A = arith.constant 0 : i32
      %dma_wait3A_185 = arith.constant 0 : i32
      %dma_wait3A_186 = tpu.memref_slice %run_scoped3A_8[%rem3A_182, %dma_wait3A, %dma_wait3A_185] : memref<2x128x128xf32, #tpu.memory_space<vmem>> -> memref<1x128x128xf32, #tpu.memory_space<vmem>>
      %dma_wait3A_187 = tpu.memref_squeeze %dma_wait3A_186 : memref<1x128x128xf32, #tpu.memory_space<vmem>> -> memref<128x128xf32, #tpu.memory_space<vmem>>
      %dma_wait3A_188 = arith.constant 0 : i32
      %dma_wait3A_189 = tpu.memref_slice %arg7[%mul3A_184, %dma_wait3A_188] : memref<16384x128xf32, #tpu.memory_space<hbm>> -> memref<128x128xf32, #tpu.memory_space<hbm>>
      %dma_wait3A_190 = tpu.memref_slice %run_scoped3A_9[%rem3A_182] : memref<2x!tpu.dma_semaphore, #tpu.memory_space<semaphore_mem>> -> memref<1x!tpu.dma_semaphore, #tpu.memory_space<semaphore_mem>>
      %dma_wait3A_191 = tpu.memref_squeeze %dma_wait3A_190 : memref<1x!tpu.dma_semaphore, #tpu.memory_space<semaphore_mem>> -> memref<!tpu.dma_semaphore, #tpu.memory_space<semaphore_mem>>
      %dma_wait3A_192 = arith.constant 0 : i32
      %dma_wait3A_193 = tpu.memref_slice %arg7[%mul3A_184, %dma_wait3A_192] : memref<16384x128xf32, #tpu.memory_space<hbm>> -> memref<128x128xf32, #tpu.memory_space<hbm>>
      %dma_wait3A_194 = arith.constant 0 : i32
      %dma_wait3A_195 = arith.constant 0 : i32
      %dma_wait3A_196 = tpu.memref_slice %run_scoped3A_8[%rem3A_182, %dma_wait3A_194, %dma_wait3A_195] : memref<2x128x128xf32, #tpu.memory_space<vmem>> -> memref<1x128x128xf32, #tpu.memory_space<vmem>>
      %dma_wait3A_197 = tpu.memref_squeeze %dma_wait3A_196 : memref<1x128x128xf32, #tpu.memory_space<vmem>> -> memref<128x128xf32, #tpu.memory_space<vmem>>
      tpu.wait_dma2 semaphore(%dma_wait3A_191 : memref<!tpu.dma_semaphore, #tpu.memory_space<semaphore_mem>>) src(%dma_wait3A_197 : memref<128x128xf32, #tpu.memory_space<vmem>>) dst(%dma_wait3A_193 : memref<128x128xf32, #tpu.memory_space<hbm>>)
      "tpu.trace_stop"() : () -> ()
      tpu.yield
    }) : () -> ()
    return
  }
}

module attributes {stable_mosaic.version = 14 : i64} {
  func.func @_tc_body(%arg0: i32, %arg1: memref<256x1024xf32, #tpu.memory_space<vmem>>, %arg2: memref<4096x128xf32, #tpu.memory_space<vmem>>, %arg3: memref<1024x128xf32, #tpu.memory_space<vmem>>, %arg4: memref<1x128xf32, #tpu.memory_space<vmem>>, %arg5: memref<1x128xf32, #tpu.memory_space<vmem>>, %arg6: memref<1x128xf32, #tpu.memory_space<vmem>>, %arg7: memref<128x64xf32, #tpu.memory_space<vmem>>, %arg8: memref<1x64xf32, #tpu.memory_space<vmem>>, %arg9: memref<1x64xf32, #tpu.memory_space<vmem>>, %arg10: memref<1x1xf32, #tpu.memory_space<vmem>>, %arg11: memref<1024x128xf32, #tpu.memory_space<vmem>>, %arg12: memref<128x128xf32, #tpu.memory_space<vmem>>, %arg13: memref<1x128xf32, #tpu.memory_space<vmem>>, %arg14: memref<4096x128xf32, #tpu.memory_space<vmem>>, %arg15: memref<256x16xf32, #tpu.memory_space<vmem>>, %arg16: memref<256x1xi32, #tpu.memory_space<vmem>>, %arg17: memref<256x1xi32, #tpu.memory_space<vmem>>, %arg18: memref<256x128xf32, #tpu.memory_space<vmem>>, %arg19: memref<256x128xf32, #tpu.memory_space<vmem>>) attributes {dimension_semantics = [#tpu.dimension_semantics<arbitrary>], iteration_bounds = array<i64: 64>, scalar_prefetch = 0 : i64, scratch_operands = 0 : i64, tpu.core_type = #tpu.core_type<tc>, window_params = [{transform_indices = @transform_0, window_bounds = array<i64: 256, 1024>}, {transform_indices = @transform_1, window_bounds = array<i64: 4096, 128>}, {pipeline_mode = #tpu.pipeline_mode<synchronous>, transform_indices = @transform_2, window_bounds = array<i64: 1024, 128>}, {pipeline_mode = #tpu.pipeline_mode<synchronous>, transform_indices = @transform_3, window_bounds = array<i64: 1, 128>}, {pipeline_mode = #tpu.pipeline_mode<synchronous>, transform_indices = @transform_4, window_bounds = array<i64: 1, 128>}, {pipeline_mode = #tpu.pipeline_mode<synchronous>, transform_indices = @transform_5, window_bounds = array<i64: 1, 128>}, {pipeline_mode = #tpu.pipeline_mode<synchronous>, transform_indices = @transform_6, window_bounds = array<i64: 128, 64>}, {pipeline_mode = #tpu.pipeline_mode<synchronous>, transform_indices = @transform_7, window_bounds = array<i64: 1, 64>}, {pipeline_mode = #tpu.pipeline_mode<synchronous>, transform_indices = @transform_8, window_bounds = array<i64: 1, 64>}, {pipeline_mode = #tpu.pipeline_mode<synchronous>, transform_indices = @transform_9, window_bounds = array<i64: 1, 1>}, {pipeline_mode = #tpu.pipeline_mode<synchronous>, transform_indices = @transform_10, window_bounds = array<i64: 1024, 128>}, {pipeline_mode = #tpu.pipeline_mode<synchronous>, transform_indices = @transform_11, window_bounds = array<i64: 128, 128>}, {pipeline_mode = #tpu.pipeline_mode<synchronous>, transform_indices = @transform_12, window_bounds = array<i64: 1, 128>}, {transform_indices = @transform_13, window_bounds = array<i64: 4096, 128>}, {transform_indices = @transform_14, window_bounds = array<i64: 256, 16>}, {transform_indices = @transform_15, window_bounds = array<i64: 256, 1>}, {transform_indices = @transform_16, window_bounds = array<i64: 256, 1>}, {transform_indices = @transform_17, window_bounds = array<i64: 256, 128>}, {transform_indices = @transform_18, window_bounds = array<i64: 256, 128>}]} {
    %get3A = arith.constant 0 : index
    %get3A_0 = arith.constant 0 : index
    %get3A_1 = vector.load %arg1[%get3A, %get3A_0] : memref<256x1024xf32, #tpu.memory_space<vmem>>, vector<256x1024xf32>
    %get3A_2 = arith.constant 0 : index
    %get3A_3 = arith.constant 0 : index
    %get3A_4 = vector.load %arg2[%get3A_2, %get3A_3] : memref<4096x128xf32, #tpu.memory_space<vmem>>, vector<4096x128xf32>
    %get3A_5 = arith.constant 0 : index
    %get3A_6 = arith.constant 0 : index
    %get3A_7 = vector.load %arg3[%get3A_5, %get3A_6] : memref<1024x128xf32, #tpu.memory_space<vmem>>, vector<1024x128xf32>
    %dot_general3A = arith.constant dense<0.000000e+00> : vector<256x128xf32>
    %dot_general3A_8 = tpu.matmul %get3A_1, %get3A_7, %dot_general3A {dimension_numbers = #tpu.dot_dimension_numbers<[1], [0], [0], [1], [0, 0, 1, 1], [], []>, transpose_lhs_hint = false} : vector<256x1024xf32>, vector<1024x128xf32>, vector<256x128xf32> -> vector<256x128xf32>
    %get3A_9 = arith.constant 0 : index
    %get3A_10 = arith.constant 0 : index
    %get3A_11 = vector.load %arg4[%get3A_9, %get3A_10] : memref<1x128xf32, #tpu.memory_space<vmem>>, vector<1x128xf32>
    %add3A = vector.broadcast %get3A_11 : vector<1x128xf32> to vector<256x128xf32>
    %add3A_12 = arith.addf %dot_general3A_8, %add3A : vector<256x128xf32>
    %reduce_sum3A = arith.constant dense<0.000000e+00> : vector<256xf32>
    %reduce_sum3A_13 = vector.multi_reduction <add>, %add3A_12, %reduce_sum3A [1] : vector<256x128xf32> to vector<256xf32>
    %broadcast_in_dim3A = vector.shape_cast %reduce_sum3A_13 : vector<256xf32> to vector<256x1xf32>
    %div3A = arith.constant 1.280000e+02 : f32
    %div3A_14 = vector.broadcast %div3A : f32 to vector<256x1xf32>
    %div3A_15 = arith.divf %broadcast_in_dim3A, %div3A_14 : vector<256x1xf32>
    %sub3A = vector.broadcast %div3A_15 : vector<256x1xf32> to vector<256x128xf32>
    %sub3A_16 = arith.subf %add3A_12, %sub3A : vector<256x128xf32>
    %integer_pow3A = arith.mulf %sub3A_16, %sub3A_16 : vector<256x128xf32>
    %reduce_sum3A_17 = arith.constant dense<0.000000e+00> : vector<256xf32>
    %reduce_sum3A_18 = vector.multi_reduction <add>, %integer_pow3A, %reduce_sum3A_17 [1] : vector<256x128xf32> to vector<256xf32>
    %broadcast_in_dim3A_19 = vector.shape_cast %reduce_sum3A_18 : vector<256xf32> to vector<256x1xf32>
    %div3A_20 = arith.constant 1.280000e+02 : f32
    %div3A_21 = vector.broadcast %div3A_20 : f32 to vector<256x1xf32>
    %div3A_22 = arith.divf %broadcast_in_dim3A_19, %div3A_21 : vector<256x1xf32>
    %sub3A_23 = vector.broadcast %div3A_15 : vector<256x1xf32> to vector<256x128xf32>
    %sub3A_24 = arith.subf %add3A_12, %sub3A_23 : vector<256x128xf32>
    %add3A_25 = arith.constant 9.99999974E-6 : f32
    %add3A_26 = vector.broadcast %add3A_25 : f32 to vector<256x1xf32>
    %add3A_27 = arith.addf %div3A_22, %add3A_26 : vector<256x1xf32>
    %rsqrt3A = math.rsqrt %add3A_27 : vector<256x1xf32>
    %mul3A = vector.broadcast %rsqrt3A : vector<256x1xf32> to vector<256x128xf32>
    %mul3A_28 = arith.mulf %sub3A_24, %mul3A : vector<256x128xf32>
    %get3A_29 = arith.constant 0 : index
    %get3A_30 = arith.constant 0 : index
    %get3A_31 = vector.load %arg5[%get3A_29, %get3A_30] : memref<1x128xf32, #tpu.memory_space<vmem>>, vector<1x128xf32>
    %mul3A_32 = vector.broadcast %get3A_31 : vector<1x128xf32> to vector<256x128xf32>
    %mul3A_33 = arith.mulf %mul3A_28, %mul3A_32 : vector<256x128xf32>
    %get3A_34 = arith.constant 0 : index
    %get3A_35 = arith.constant 0 : index
    %get3A_36 = vector.load %arg6[%get3A_34, %get3A_35] : memref<1x128xf32, #tpu.memory_space<vmem>>, vector<1x128xf32>
    %add3A_37 = vector.broadcast %get3A_36 : vector<1x128xf32> to vector<256x128xf32>
    %add3A_38 = arith.addf %mul3A_33, %add3A_37 : vector<256x128xf32>
    %get3A_39 = arith.constant 0 : index
    %get3A_40 = arith.constant 0 : index
    %get3A_41 = vector.load %arg7[%get3A_39, %get3A_40] : memref<128x64xf32, #tpu.memory_space<vmem>>, vector<128x64xf32>
    %dot_general3A_42 = arith.constant dense<0.000000e+00> : vector<4096x64xf32>
    %dot_general3A_43 = tpu.matmul %get3A_4, %get3A_41, %dot_general3A_42 {dimension_numbers = #tpu.dot_dimension_numbers<[1], [0], [0], [1], [0, 0, 1, 1], [], []>, transpose_lhs_hint = false} : vector<4096x128xf32>, vector<128x64xf32>, vector<4096x64xf32> -> vector<4096x64xf32>
    %get3A_44 = arith.constant 0 : index
    %get3A_45 = arith.constant 0 : index
    %get3A_46 = vector.load %arg8[%get3A_44, %get3A_45] : memref<1x64xf32, #tpu.memory_space<vmem>>, vector<1x64xf32>
    %add3A_47 = vector.broadcast %get3A_46 : vector<1x64xf32> to vector<4096x64xf32>
    %add3A_48 = arith.addf %dot_general3A_43, %add3A_47 : vector<4096x64xf32>
    %max3A = arith.constant 0.000000e+00 : f32
    %max3A_49 = vector.broadcast %max3A : f32 to vector<4096x64xf32>
    %max3A_50 = arith.maximumf %add3A_48, %max3A_49 : vector<4096x64xf32>
    %get3A_51 = arith.constant 0 : index
    %get3A_52 = arith.constant 0 : index
    %get3A_53 = vector.load %arg9[%get3A_51, %get3A_52] : memref<1x64xf32, #tpu.memory_space<vmem>>, vector<1x64xf32>
    %mul3A_54 = vector.broadcast %get3A_53 : vector<1x64xf32> to vector<4096x64xf32>
    %mul3A_55 = arith.mulf %max3A_50, %mul3A_54 : vector<4096x64xf32>
    %reshape3A = vector.shape_cast %mul3A_55 : vector<4096x64xf32> to vector<256x16x64xf32>
    %reduce_sum3A_56 = arith.constant dense<0.000000e+00> : vector<256x16xf32>
    %reduce_sum3A_57 = vector.multi_reduction <add>, %reshape3A, %reduce_sum3A_56 [2] : vector<256x16x64xf32> to vector<256x16xf32>
    %get3A_58 = arith.constant 0 : index
    %get3A_59 = arith.constant 0 : index
    %get3A_60 = vector.load %arg10[%get3A_58, %get3A_59] : memref<1x1xf32, #tpu.memory_space<vmem>>, vector<1x1xf32>
    %add3A_61 = vector.broadcast %get3A_60 : vector<1x1xf32> to vector<256x16xf32>
    %add3A_62 = arith.addf %reduce_sum3A_57, %add3A_61 : vector<256x16xf32>
    %logistic3A = arith.negf %add3A_62 : vector<256x16xf32>
    %logistic3A_63 = math.exp %logistic3A : vector<256x16xf32>
    %logistic3A_64 = arith.constant 1.000000e+00 : f32
    %logistic3A_65 = vector.broadcast %logistic3A_64 : f32 to vector<256x16xf32>
    %logistic3A_66 = arith.addf %logistic3A_65, %logistic3A_63 : vector<256x16xf32>
    %logistic3A_67 = arith.divf %logistic3A_65, %logistic3A_66 : vector<256x16xf32>
    %swap3A = arith.constant 0 : index
    %swap3A_68 = arith.constant 0 : index
    %swap3A_69 = vector.load %arg15[%swap3A, %swap3A_68] : memref<256x16xf32, #tpu.memory_space<vmem>>, vector<256x16xf32>
    tpu.vector_store %arg15[%swap3A, %swap3A_68], %logistic3A_67 {strides = array<i32>} : memref<256x16xf32, #tpu.memory_space<vmem>>, vector<256x16xf32>,
    %iota3A = tpu.iota {dimensions = array<i32: 1>} : vector<256x16xi32>
    %reduce_min3A = arith.constant dense<0x7F800000> : vector<256xf32>
    %reduce_min3A_70 = vector.multi_reduction <minimumf>, %logistic3A_67, %reduce_min3A [1] : vector<256x16xf32> to vector<256xf32>
    %broadcast_in_dim3A_71 = vector.shape_cast %reduce_min3A_70 : vector<256xf32> to vector<256x1xf32>
    %reduce_max3A = arith.constant dense<0xFF800000> : vector<256xf32>
    %reduce_max3A_72 = vector.multi_reduction <maximumf>, %logistic3A_67, %reduce_max3A [1] : vector<256x16xf32> to vector<256xf32>
    %broadcast_in_dim3A_73 = vector.shape_cast %reduce_max3A_72 : vector<256xf32> to vector<256x1xf32>
    %eq3A = vector.broadcast %broadcast_in_dim3A_71 : vector<256x1xf32> to vector<256x16xf32>
    %eq3A_74 = arith.cmpf oeq, %logistic3A_67, %eq3A : vector<256x16xf32>
    %jit3A = arith.constant 16 : i32
    %broadcast_in_dim3A_75 = vector.broadcast %jit3A : i32 to vector<256x16xi32>
    %select_n3A = arith.select %eq3A_74, %iota3A, %broadcast_in_dim3A_75 : vector<256x16xi1>, vector<256x16xi32>
    %reduce_min3A_76 = arith.constant dense<2147483647> : vector<256xi32>
    %reduce_min3A_77 = vector.multi_reduction <minsi>, %select_n3A, %reduce_min3A_76 [1] : vector<256x16xi32> to vector<256xi32>
    %broadcast_in_dim3A_78 = vector.shape_cast %reduce_min3A_77 : vector<256xi32> to vector<256x1xi32>
    %swap3A_79 = arith.constant 0 : index
    %swap3A_80 = arith.constant 0 : index
    %swap3A_81 = vector.load %arg16[%swap3A_79, %swap3A_80] : memref<256x1xi32, #tpu.memory_space<vmem>>, vector<256x1xi32>
    tpu.vector_store %arg16[%swap3A_79, %swap3A_80], %broadcast_in_dim3A_78 {strides = array<i32>} : memref<256x1xi32, #tpu.memory_space<vmem>>, vector<256x1xi32>,
    %eq3A_82 = vector.broadcast %broadcast_in_dim3A_73 : vector<256x1xf32> to vector<256x16xf32>
    %eq3A_83 = arith.cmpf oeq, %logistic3A_67, %eq3A_82 : vector<256x16xf32>
    %jit3A_84 = arith.constant 16 : i32
    %broadcast_in_dim3A_85 = vector.broadcast %jit3A_84 : i32 to vector<256x16xi32>
    %select_n3A_86 = arith.select %eq3A_83, %iota3A, %broadcast_in_dim3A_85 : vector<256x16xi1>, vector<256x16xi32>
    %reduce_min3A_87 = arith.constant dense<2147483647> : vector<256xi32>
    %reduce_min3A_88 = vector.multi_reduction <minsi>, %select_n3A_86, %reduce_min3A_87 [1] : vector<256x16xi32> to vector<256xi32>
    %broadcast_in_dim3A_89 = vector.shape_cast %reduce_min3A_88 : vector<256xi32> to vector<256x1xi32>
    %swap3A_90 = arith.constant 0 : index
    %swap3A_91 = arith.constant 0 : index
    %swap3A_92 = vector.load %arg17[%swap3A_90, %swap3A_91] : memref<256x1xi32, #tpu.memory_space<vmem>>, vector<256x1xi32>
    tpu.vector_store %arg17[%swap3A_90, %swap3A_91], %broadcast_in_dim3A_89 {strides = array<i32>} : memref<256x1xi32, #tpu.memory_space<vmem>>, vector<256x1xi32>,
    %get3A_93 = arith.constant 0 : index
    %get3A_94 = arith.constant 0 : index
    %get3A_95 = vector.load %arg11[%get3A_93, %get3A_94] : memref<1024x128xf32, #tpu.memory_space<vmem>>, vector<1024x128xf32>
    %dot_general3A_96 = arith.constant dense<0.000000e+00> : vector<256x128xf32>
    %dot_general3A_97 = tpu.matmul %get3A_1, %get3A_95, %dot_general3A_96 {dimension_numbers = #tpu.dot_dimension_numbers<[1], [0], [0], [1], [0, 0, 1, 1], [], []>, transpose_lhs_hint = false} : vector<256x1024xf32>, vector<1024x128xf32>, vector<256x128xf32> -> vector<256x128xf32>
    %get3A_98 = arith.constant 0 : index
    %get3A_99 = arith.constant 0 : index
    %get3A_100 = vector.load %arg12[%get3A_98, %get3A_99] : memref<128x128xf32, #tpu.memory_space<vmem>>, vector<128x128xf32>
    %dot_general3A_101 = arith.constant dense<0.000000e+00> : vector<256x128xf32>
    %dot_general3A_102 = tpu.matmul %add3A_38, %get3A_100, %dot_general3A_101 {dimension_numbers = #tpu.dot_dimension_numbers<[1], [0], [0], [1], [0, 0, 1, 1], [], []>, transpose_lhs_hint = false} : vector<256x128xf32>, vector<128x128xf32>, vector<256x128xf32> -> vector<256x128xf32>
    %add3A_103 = arith.addf %dot_general3A_97, %dot_general3A_102 : vector<256x128xf32>
    %get3A_104 = arith.constant 0 : index
    %get3A_105 = arith.constant 0 : index
    %get3A_106 = vector.load %arg13[%get3A_104, %get3A_105] : memref<1x128xf32, #tpu.memory_space<vmem>>, vector<1x128xf32>
    %add3A_107 = vector.broadcast %get3A_106 : vector<1x128xf32> to vector<256x128xf32>
    %add3A_108 = arith.addf %add3A_103, %add3A_107 : vector<256x128xf32>
    %logistic3A_109 = arith.negf %add3A_108 : vector<256x128xf32>
    %logistic3A_110 = math.exp %logistic3A_109 : vector<256x128xf32>
    %logistic3A_111 = arith.constant 1.000000e+00 : f32
    %logistic3A_112 = vector.broadcast %logistic3A_111 : f32 to vector<256x128xf32>
    %logistic3A_113 = arith.addf %logistic3A_112, %logistic3A_110 : vector<256x128xf32>
    %logistic3A_114 = arith.divf %logistic3A_112, %logistic3A_113 : vector<256x128xf32>
    %swap3A_115 = arith.constant 0 : index
    %swap3A_116 = arith.constant 0 : index
    %swap3A_117 = vector.load %arg18[%swap3A_115, %swap3A_116] : memref<256x128xf32, #tpu.memory_space<vmem>>, vector<256x128xf32>
    tpu.vector_store %arg18[%swap3A_115, %swap3A_116], %logistic3A_114 {strides = array<i32>} : memref<256x128xf32, #tpu.memory_space<vmem>>, vector<256x128xf32>,
    %sub3A_118 = arith.constant 1.000000e+00 : f32
    %sub3A_119 = vector.broadcast %sub3A_118 : f32 to vector<256x128xf32>
    %sub3A_120 = arith.subf %sub3A_119, %logistic3A_114 : vector<256x128xf32>
    %mul3A_121 = arith.mulf %sub3A_120, %add3A_38 : vector<256x128xf32>
    %swap3A_122 = arith.constant 0 : index
    %swap3A_123 = arith.constant 0 : index
    %swap3A_124 = vector.load %arg19[%swap3A_122, %swap3A_123] : memref<256x128xf32, #tpu.memory_space<vmem>>, vector<256x128xf32>
    tpu.vector_store %arg19[%swap3A_122, %swap3A_123], %mul3A_121 {strides = array<i32>} : memref<256x128xf32, #tpu.memory_space<vmem>>, vector<256x128xf32>,
    %swap3A_125 = arith.constant 0 : index
    %swap3A_126 = arith.constant 0 : index
    %swap3A_127 = vector.load %arg14[%swap3A_125, %swap3A_126] : memref<4096x128xf32, #tpu.memory_space<vmem>>, vector<4096x128xf32>
    tpu.vector_store %arg14[%swap3A_125, %swap3A_126], %get3A_4 {strides = array<i32>} : memref<4096x128xf32, #tpu.memory_space<vmem>>, vector<4096x128xf32>,
    return
  }
  func.func @transform_0(%arg0: i32) -> (i32, i32) {
    %c0_i32 = arith.constant 0 : i32
    %c0_i32_0 = arith.constant 0 : i32
    return %arg0, %c0_i32 : i32, i32
  }
  func.func @transform_1(%arg0: i32) -> (i32, i32) {
    %c0_i32 = arith.constant 0 : i32
    %c0_i32_0 = arith.constant 0 : i32
    return %arg0, %c0_i32 : i32, i32
  }
  func.func @transform_2(%arg0: i32) -> (i32, i32) {
    %c0_i32 = arith.constant 0 : i32
    %c0_i32_0 = arith.constant 0 : i32
    %c0_i32_1 = arith.constant 0 : i32
    return %c0_i32, %c0_i32_0 : i32, i32
  }
  func.func @transform_3(%arg0: i32) -> (i32, i32) {
    %c0_i32 = arith.constant 0 : i32
    %c0_i32_0 = arith.constant 0 : i32
    %c0_i32_1 = arith.constant 0 : i32
    return %c0_i32, %c0_i32_0 : i32, i32
  }
  func.func @transform_4(%arg0: i32) -> (i32, i32) {
    %c0_i32 = arith.constant 0 : i32
    %c0_i32_0 = arith.constant 0 : i32
    %c0_i32_1 = arith.constant 0 : i32
    return %c0_i32, %c0_i32_0 : i32, i32
  }
  func.func @transform_5(%arg0: i32) -> (i32, i32) {
    %c0_i32 = arith.constant 0 : i32
    %c0_i32_0 = arith.constant 0 : i32
    %c0_i32_1 = arith.constant 0 : i32
    return %c0_i32, %c0_i32_0 : i32, i32
  }
  func.func @transform_6(%arg0: i32) -> (i32, i32) {
    %c0_i32 = arith.constant 0 : i32
    %c0_i32_0 = arith.constant 0 : i32
    %c0_i32_1 = arith.constant 0 : i32
    return %c0_i32, %c0_i32_0 : i32, i32
  }
  func.func @transform_7(%arg0: i32) -> (i32, i32) {
    %c0_i32 = arith.constant 0 : i32
    %c0_i32_0 = arith.constant 0 : i32
    %c0_i32_1 = arith.constant 0 : i32
    return %c0_i32, %c0_i32_0 : i32, i32
  }
  func.func @transform_8(%arg0: i32) -> (i32, i32) {
    %c0_i32 = arith.constant 0 : i32
    %c0_i32_0 = arith.constant 0 : i32
    %c0_i32_1 = arith.constant 0 : i32
    return %c0_i32, %c0_i32_0 : i32, i32
  }
  func.func @transform_9(%arg0: i32) -> (i32, i32) {
    %c0_i32 = arith.constant 0 : i32
    %c0_i32_0 = arith.constant 0 : i32
    %c0_i32_1 = arith.constant 0 : i32
    return %c0_i32, %c0_i32_0 : i32, i32
  }
  func.func @transform_10(%arg0: i32) -> (i32, i32) {
    %c0_i32 = arith.constant 0 : i32
    %c0_i32_0 = arith.constant 0 : i32
    %c0_i32_1 = arith.constant 0 : i32
    return %c0_i32, %c0_i32_0 : i32, i32
  }
  func.func @transform_11(%arg0: i32) -> (i32, i32) {
    %c0_i32 = arith.constant 0 : i32
    %c0_i32_0 = arith.constant 0 : i32
    %c0_i32_1 = arith.constant 0 : i32
    return %c0_i32, %c0_i32_0 : i32, i32
  }
  func.func @transform_12(%arg0: i32) -> (i32, i32) {
    %c0_i32 = arith.constant 0 : i32
    %c0_i32_0 = arith.constant 0 : i32
    %c0_i32_1 = arith.constant 0 : i32
    return %c0_i32, %c0_i32_0 : i32, i32
  }
  func.func @transform_13(%arg0: i32) -> (i32, i32) {
    %c0_i32 = arith.constant 0 : i32
    %c0_i32_0 = arith.constant 0 : i32
    return %arg0, %c0_i32 : i32, i32
  }
  func.func @transform_14(%arg0: i32) -> (i32, i32) {
    %c0_i32 = arith.constant 0 : i32
    %c0_i32_0 = arith.constant 0 : i32
    return %arg0, %c0_i32 : i32, i32
  }
  func.func @transform_15(%arg0: i32) -> (i32, i32) {
    %c0_i32 = arith.constant 0 : i32
    %c0_i32_0 = arith.constant 0 : i32
    return %arg0, %c0_i32 : i32, i32
  }
  func.func @transform_16(%arg0: i32) -> (i32, i32) {
    %c0_i32 = arith.constant 0 : i32
    %c0_i32_0 = arith.constant 0 : i32
    return %arg0, %c0_i32 : i32, i32
  }
  func.func @transform_17(%arg0: i32) -> (i32, i32) {
    %c0_i32 = arith.constant 0 : i32
    %c0_i32_0 = arith.constant 0 : i32
    return %arg0, %c0_i32 : i32, i32
  }
  func.func @transform_18(%arg0: i32) -> (i32, i32) {
    %c0_i32 = arith.constant 0 : i32
    %c0_i32_0 = arith.constant 0 : i32
    return %arg0, %c0_i32 : i32, i32
  }
}

</mosaic_0001>

<sc_bundles>
// kernel: _run.4.cloned.1.call-start
scs
__scs_entry_jumppad:
0x0: {  	(pc) =	sbr.rel $0x88, $3  }
0x1: {  	(tag) =	ssettag $0x0;
	lr =	simm.s32 $0x1  }
0x2: {  	[smem:$0x3F95] =	sst lr;
	_ =	strace $0xD0000000  }
0x3: {  	_ = 	snop  }
0x4: {  	_ = 	snop  }
0x5: {  	_ = 	snop  }
0x6: {  	_ = 	snop  }
0x7: {  	_ = 	snop  }
__scs_overlays_trampoline_lowered:
0x8: {  	[smem:$0x3FA4] =	sst s0  }
0x9: {  	[smem:$0x3FA5] =	sst s1  }
0xa: {  	[smem:$0x3FA6] =	sst s2  }
0xb: {  	[smem:$0x3FA7] =	sst s3  }
0xc: {  	[smem:$0x3FA8] =	sst s4  }
0xd: {  	[smem:$0x3FA9] =	sst s5  }
0xe: {  	[smem:$0x3FAA] =	sst s6  }
0xf: {  	[smem:$0x3FAB] =	sst s7  }
0x10: {  	[smem:$0x3FAC] =	sst s8  }
0x11: {  	[smem:$0x3FAD] =	sst s9;
	s0 =	simm.s32 @!p0 $0x0  }
0x12: {  	s1 =	sld [smem:$0x3F93];
	s0 =	simm.s32 @p0 $0x1  }
0x13: {  	[smem:$0x3FAE] =	sst s0;
	s0 =	simm.s32 @!p1 $0x0  }
0x14: {  	s2 =	sld [smem:$0x3F92];
	s0 =	simm.s32 @p1 $0x1  }
0x15: {  	[smem:$0x3FAF] =	sst s0;
	s0 =	simm.s32 @!p2 $0x0  }
0x16: {  	s3 =	sld [smem:$0x3FDB];
	s0 =	simm.s32 @p2 $0x1  }
0x17: {  	s4 =	simm.s32 $0x1BF5;
	[smem:$0x3FB1] =	sst s0  }
0x18: {  	s0 =	sld [smem:$0x3F94];
	_ =	swait.ge [sflag:s4], $0x0  }
0x19: {  	s7 =	sld [smem:$0x3F95]  }
0x1a: {  	s8 =	sadd.s32 $0xFFFFE003, lr  }
0x1b: {  	s9 =	sadd.s32 $0xFFFFFEF7, lr;
	s5 =	simm.s32 $0xFFFFFFFF;
	p2 =	slt.u32 s8, $0xFFFFF086  }
0x1c: {  	p1 =	slt.u32 s9, $0xF7A;
	s5 =	simm.s32 @!p2 $0x0  }
0x1d: {  	s5 =	simm.s32 @p1 $0x1;
	p0 =	seq.s32 s7, s2  }
0x1e: {  	s7 =	smul.u32 @!p0 $0xF7A, s2;
	p2 =	seq.s32 @!p0 s5, $0x0  }
0x1f: {  	s9 =	smul.u32 $0xF7A, s1;
	s8 =	simm.s32 @!p0 $0x1BF5;
	p2 =	por !p2, p0  }
0x20: {  	[sflag:s8] =	ssyncset.s32 @!p0 $0xFFFFF086;
	s6 =	sadd.s32 @!p0 s3, s7;
	s7 =	simm.s32 @!p0 $0x108  }
0x21: {  	s3 =	sadd.s32 s3, s9;
	s6 =	sadd.s32 @!p0 $0x88, s6;
	s7 =	simm.s32 @p2 $0x1082  }
0x22: {  	[simem:s7], [sflag:s8] =	dma.local @!p0 [hbm:s6], $0xF7A  }
0x23: {  	s9 =	sor.u32 $0xD0000000, s2;
	s6 =	simm.s32 $0x108;
	_ =	swait.ge @!p0 [sflag:s8], $0x0  }
0x24: {  	s3 =	sadd.s32 $0x88, s3;
	s6 =	simm.s32 @!p1 $0x1082;
	[sflag:s4] =	ssyncset.s32 $0xFFFFF086  }
0x25: {  	[simem:s6], [sflag:s4] =	dma.local [hbm:s3], $0xF7A  }
0x26: {  	[smem:$0x3F95] =	sst s1;
	(tag) =	ssettag s2;
	_ =	strace s9  }
0x27: {  	s1 =	sld [smem:$0x3FA5]  }
0x28: {  	s2 =	sld [smem:$0x3FA6]  }
0x29: {  	s4 =	sld [smem:$0x3FA8]  }
0x2a: {  	p0 =	seq.s32 s5, $0x0;
	s5 =	sld [smem:$0x3FA9]  }
0x2b: {  	s6 =	sld [smem:$0x3FAA]  }
0x2c: {  	s7 =	sld [smem:$0x3FAB]  }
0x2d: {  	s3 =	simm.s32 $0x108;
	s8 =	sld [smem:$0x3FAC]  }
0x2e: {  	s3 =	simm.s32 @!p0 $0x1082;
	s9 =	sld [smem:$0x3FAD]  }
0x2f: {  	lr =	sadd.s32 s0, s3;
	s0 =	sld [smem:$0x3FA4]  }
0x30: {  	s3 =	sld [smem:$0x3FA7]  }
0x31: {  	[smem:$0x3FB0] =	sst s10  }
0x32: {  	s10 =	sld [smem:$0x3FAE];
	_ =	sdelay $0x3  }
0x33: {  	p0 =	seq.s32 s10, $0x1;
	s10 =	sld [smem:$0x3FB0];
	_ =	sdelay $0x3  }
0x34: {  	[smem:$0x3FB0] =	sst s10  }
0x35: {  	s10 =	sld [smem:$0x3FAF];
	_ =	sdelay $0x3  }
0x36: {  	p1 =	seq.s32 s10, $0x1;
	s10 =	sld [smem:$0x3FB0];
	_ =	sdelay $0x3  }
0x37: {  	[smem:$0x3FB0] =	sst s10  }
0x38: {  	s10 =	sld [smem:$0x3FB1]  }
0x39: {  	_ = 	snop;
	(pc) =	sbr.ind lr, $3  }
0x3a: {  	_ = 	snop  }
0x3b: {  	_ = 	snop  }
0x3c: {  	p2 =	seq.s32 s10, $0x1;
	s10 =	sld [smem:$0x3FB0]  }
0x3d: {  	_ =	shalt  }
0x3e: {  	_ =	shalt  }
0x3f: {  	_ =	shalt  }
0x40: {  	_ =	shalt  }
0x41: {  	_ =	shalt  }
0x42: {  	_ =	shalt  }
0x43: {  	_ =	shalt  }
0x44: {  	_ =	shalt  }
0x45: {  	_ =	shalt  }
0x46: {  	_ =	shalt  }
0x47: {  	_ =	shalt  }
0x48: {  	_ =	shalt  }
0x49: {  	_ =	shalt  }
0x4a: {  	_ =	shalt  }
0x4b: {  	_ =	shalt  }
0x4c: {  	_ =	shalt  }
0x4d: {  	_ =	shalt  }
0x4e: {  	_ =	shalt  }
0x4f: {  	_ =	shalt  }
0x50: {  	_ =	shalt  }
0x51: {  	_ =	shalt  }
0x52: {  	_ =	shalt  }
0x53: {  	_ =	shalt  }
0x54: {  	_ =	shalt  }
0x55: {  	_ =	shalt  }
0x56: {  	_ =	shalt  }
0x57: {  	_ =	shalt  }
0x58: {  	_ =	shalt  }
0x59: {  	_ =	shalt  }
0x5a: {  	_ =	shalt  }
0x5b: {  	_ =	shalt  }
0x5c: {  	_ =	shalt  }
0x5d: {  	_ =	shalt  }
0x5e: {  	_ =	shalt  }
0x5f: {  	_ =	shalt  }
0x60: {  	_ =	shalt  }
0x61: {  	_ =	shalt  }
0x62: {  	_ =	shalt  }
0x63: {  	_ =	shalt  }
0x64: {  	_ =	shalt  }
0x65: {  	_ =	shalt  }
0x66: {  	_ =	shalt  }
0x67: {  	_ =	shalt  }
0x68: {  	_ =	shalt  }
0x69: {  	_ =	shalt  }
0x6a: {  	_ =	shalt  }
0x6b: {  	_ =	shalt  }
0x6c: {  	_ =	shalt  }
0x6d: {  	_ =	shalt  }
0x6e: {  	_ =	shalt  }
0x6f: {  	_ =	shalt  }
0x70: {  	_ =	shalt  }
0x71: {  	_ =	shalt  }
0x72: {  	_ =	shalt  }
0x73: {  	_ =	shalt  }
0x74: {  	_ =	shalt  }
0x75: {  	_ =	shalt  }
0x76: {  	_ =	shalt  }
0x77: {  	_ =	shalt  }
0x78: {  	_ =	shalt  }
0x79: {  	_ =	shalt  }
0x7a: {  	_ =	shalt  }
0x7b: {  	_ =	shalt  }
0x7c: {  	_ =	shalt  }
0x7d: {  	_ =	shalt  }
0x7e: {  	_ =	shalt  }
0x7f: {  	_ =	shalt  }
0x80: {  	_ =	shalt  }
0x81: {  	_ =	shalt  }
0x82: {  	_ =	shalt  }
0x83: {  	_ =	shalt  }
0x84: {  	_ =	shalt  }
0x85: {  	_ =	shalt  }
0x86: {  	_ =	shalt  }
0x87: {  	_ =	shalt  }
.Lfunc_end0:
.L_simem_size_0:
called_computation_lowered:
.L_overlay_start_0:
0x88: {  	s2 =	sld [smem:$0x3FD9]  }
0x89: {  	s3 =	sld [smem:$0x3FFE];
	_ =	sdelay $0x1  }
0x8a: {  	s1 =	srdreg.scid  }
0x8b: {  	s0 =	sand.u32 $0x1, s1  }
0x8c: {  	s14 =	sshll.u32 s0, $0xA;
	s2 =	sadd.s32 s3, s2  }
0x8d: {  	s2 =	sadd.s32 s2, s14  }
0x8e: {  	[smem:$0x3FBC] =	sst s2  }
0x8f: {  	_ = 	snop  }
0x90: {  	s2 =	sld [smem:$0x3FD0];
	_ =	sdelay $0x2  }
0x91: {  	s15 =	simm.s32 $0xA;
	s4 =	simm.s32 $0x10  }
0x92: {  	[smem:s4], [sflag:s15] =	dma.local [hbm:s2], $0x1  }
0x93: {  	_ =	swait.eq [sflag:s15], $0x1  }
0x94: {  	[sflag:s15] =	ssyncset.done $0x0  }
0x95: {  	s16 =	sld [smem:$0x10];
	[sflag:s15] =	ssyncadd.s32 $0xFFFFFFFF  }
0x96: {  	s17 =	sld [smem:$0x11];
	(tm) =	ssettm $0x1  }
0x97: {  	s18 =	sld [smem:$0x3FFB];
	_ =	sdelay $0x3  }
0x98: {  	_ =	strace s18  }
0x99: {  	s4 =	sld [smem:$0x3FFC];
	_ =	sdelay $0x3  }
0x9a: {  	_ =	strace s4  }
0x9b: {  	s4 =	sld [smem:$0x3FFD];
	_ =	sdelay $0x3  }
0x9c: {  	_ =	strace s4  }
0x9d: {  	_ =	strace $0x8FFFFFFF  }
0x9e: {  	s19 =	sld [smem:$0x3FDB];
	_ =	sdelay $0x1  }
0x9f: {  	s5 =	simm.s32 $_scs_section_size  }
0xa0: {  	s6 =	simm.s32 $_size__tile_overlayer_lowered;
	s7 =	simm.s32 $_tile_overlayer_lowered  }
0xa1: {  	s22 =	simm.s32 $0x1BFF;
	s21 =	sshll.u32 s7, $0x1;
	s4 =	sadd.s32 s5, s19  }
0xa2: {  	s8 =	simm.s32 $0x0;
	s20 =	sshll.u32 s6, $0x1;
	s6 =	sadd.s32 s21, s4  }
0xa3: {  	[timem:s8], [sflag:s22] =	dma.local [hbm:s6], s20  }
0xa4: {  	_ =	swait.ge [sflag:s22], s20  }
0xa5: {  	s5 =	ssub.s32 $0x0, s20;
	[sflag:s22] =	ssyncset.done $0x0  }
0xa6: {  	[sflag:s22] =	ssyncadd.s32 s5;
	_ =	sdelay $0x1  }
0xa7: {  	s23 =	simm.s32 $0x1B8B  }
0xa8: {  	_ =	swait.ge [sflag:s23], $0x1  }
0xa9: {  	[sflag:s23] =	ssyncset.done $0x0  }
0xaa: {  	s25 =	simm.s32 $0x1B8E;
	s24 =	sld [smem:$0x3FFE];
	[sflag:s23] =	ssyncadd.s32 $0xFFFFFFFF  }
0xab: {  	s26 =	simm.s32 $execute0_lowered;
	[smem:$0x3FD2] =	sst s25  }
0xac: {  	s6 =	sshll.u32 s26, $0x1;
	_ =	strace $0x80000046;
	[dreg:$0x1] =	wrdreg $0xFFFFFFFF  }
0xad: {  	s28 =	simm.s32 $_size_execute0_lowered;
	s4 =	sadd.s32 s4, s6;
	[dreg:$0x0] =	wrdreg $0x0  }
0xae: {  	s6 =	sshll.u32 s28, $0x1;
	[dreg:$0x2] =	wrdreg s4  }
0xaf: {  	[dreg:$0x3] =	wrdreg s6  }
0xb0: {  	[dreg:$0x4] =	wrdreg $0xC0  }
0xb1: {  	_ =	task [dreg:s8], $0x5FFFF  }
0xb2: {  	[dreg:$0x1] =	wrdreg $0xFFFFFFFF  }
0xb3: {  	[dreg:$0x0] =	wrdreg $0x60  }
0xb4: {  	[dreg:$0x2] =	wrdreg s16  }
0xb5: {  	[dreg:$0x3] =	wrdreg s24  }
0xb6: {  	[dreg:$0x4] =	wrdreg s17  }
0xb7: {  	[dreg:$0x5] =	wrdreg $0x9  }
0xb8: {  	_ =	task.clear_ibuf [dreg:s8], $0x6FFFF;
	_ =	strace $0x90000046  }
0xb9: {  	s29 =	simm.s32 $0x9;
	_ =	strace $0x80000055  }
0xba: {  	_ =	swait.ge [sflag:s29], $0x1  }
0xbb: {  	[sflag:s29] =	ssyncadd.s32 $0xFFFFFFFF  }
0xbc: {  	_ =	strace $0x90000055  }
0xbd: {  	_ =	sfence  }
0xbe: {  	s30 =	sld [smem:$0x0];
	_ =	sdelay $0x2  }
0xbf: {  	s31 =	sshll.u32 s1, $0xD;
	s1 =	sshrl.u32 s1, $0x2  }
0xc0: {  	s3 =	sand.u32 $0x4000, s31;
	s1 =	sadd.s32 s1, s30  }
0xc1: {  	s0 =	sor.u32 s3, s0;
	s1 =	sshll.u32 s1, $0x11  }
0xc2: {  	s0 =	sor.u32 s1, s0  }
0xc3: {  	s0 =	sadd.s32 $0x8F2B, s0  }
0xc4: {  	[sflag:s0] =	ssyncadd.remote.s32 $0x1  }
0xc5: {  	_ =	sfence.sel $0xFFFF  }
0xc6: {  	[dreg:$0x0] =	wrdreg $0xFFFFFFFF;
	(pc) =	sbr.abs _section_cstart, $3  }
0xc7: {  	[dreg:$0x1] =	wrdreg $0xFFFFFFFF  }
0xc8: {  	_ =	task.clear_ibuf [dreg:s8], $0x2FFFF;
	_ =	strace $0x9FFFFFFF  }
0xc9: {  	(tm) =	ssettm $0x7FFFFFFF  }
tec
execute0_lowered:
.L_overlay_start_1:
0x0: {  	(tag) =	ssettag $0x1  }
0x1: {  	s1 =	rddreg [dreg:$0x0]  }
0x2: {  	s0 =	rddreg [dreg:$0x1]  }
0x3: {  	s2 =	rddreg [dreg:$0x2]  }
0x4: {  	s3 =	simm.s32 $0x0;
	s4 =	srdreg.scid;
	s10 =	stileid.u32  }
0x5: {  	[smem:$0x7FF] =	sst s3;
	s4 =	sand.u32 $0x1, s4;
	s5 =	sadd.s32 $0x81A00, s0  }
0x6: {  	s6 =	sadd.s32 $0x81200, s0;
	s29 =	sshll.u32 s10, $0x7;
	s4 =	ssub.s32 $0x2, s4  }
0x7: {  	s7 =	sadd.s32 $0x1200, s0;
	s11 =	sadd.s32 s5, s29;
	s9 =	sshrl.u32 s4, $0x1  }
0x8: {  	_ =	strace $0x80000047;
	[dreg:$0x4] =	wrdreg s11;
	s28 =	ssub.s32 s4, s9  }
0x9: {  	s9 =	sshll.u32 s10, $0x3;
	s10 =	sshll.u32 s10, $0xE;
	s4 =	sadd.s32 s6, s29  }
0xa: {  	s8 =	sadd.s32 $0x41200, s0;
	[dreg:$0x5] =	wrdreg s4;
	s30 =	sadd.s32 s7, s10  }
0xb: {  	s31 =	sadd.s32 s8, s10;
	[dreg:$0x6] =	wrdreg s30  }
0xc: {  	s19 =	simm.s32 $0x80;
	s0 =	smax.u32 s28, $0x1;
	[dreg:$0x7] =	wrdreg s31  }
0xd: {  	s20 =	simm.s32 $0xB;
	s4 =	simm.s32 $0x0;
	[dreg:$0x8] =	wrdreg s0  }
.LBB2_1:
0xe: {  	[dreg:$0x9] =	wrdreg s4;
	s18 =	simm.s32 $0x4000  }
0xf: {  	s22 =	simm.s32 $0x4100;
	s24 =	simm.s32 $0x4200;
	_ =	strace $0x80000048  }
0x10: {  	s26 =	simm.s32 $0xC200;
	s17 =	simm.s32 $0x0;
	s0 =	rddreg [dreg:$0x4]  }
0x11: {  	s28 =	simm.s32 $0x0;
	s29 =	simm.s32 $0x1;
	s21 =	rddreg [dreg:$0x5]  }
0x12: {  	[tilespmem:s18], [sflag:$0x1] =	stream.linear.gather [hbm4b:s0+s3], $0x80, $0x200038;
	[tilespmem:$0x1C200] =	vst v63  }
0x13: {  	s30 =	simm.s32 $0x0;
	s31 =	simm.s32 $0x1;
	s23 =	rddreg [dreg:$0x6]  }
0x14: {  	[tilespmem:s22], [sflag:$0x3] =	stream.linear.gather [hbm4b:s21+s3], $0x80, $0x200038;
	[tilespmem:$0x1C200] =	vst v63  }
0x15: {  	s4 =	simm.s32 $0x1;
	s15 =	simm.s32 $0x0;
	s25 =	rddreg [dreg:$0x7]  }
0x16: {  	[tilespmem:s24], [sflag:$0x5] =	stream.linear.gather [hbm4b:s23+s3], $0x4000, $0x200038;
	[tilespmem:$0x1C200] =	vst v63  }
0x17: {  	s0 =	simm.s32 $0x0;
	s23 =	simm.s32 $0x0;
	s24 =	simm.s32 $0x0  }
0x18: {  	[tilespmem:s26], [sflag:$0x7] =	stream.linear.gather [hbm4b:s25+s3], $0x4000, $0x200038;
	[tilespmem:$0x1C200] =	vst v63  }
0x19: {  	s25 =	simm.s32 $0x0;
	s26 =	simm.s32 $0x1;
	_ =	strace $0x90000048  }
.LBB2_2:
0x1a: {  	s16 =	sadd.s32 $0x1, s17  }
0x1b: {  	p0 =	seq.s32 s16, $0x8  }
0x1c: {  	s16 =	simm.s32 @p0 $0x0;
	p0 =	seq.s32 s15, $0x7  }
0x1d: {  	p2 =	seq.s32 @!p0 s17, s16  }
0x1e: {  	p1 =	por p2, p0  }
0x1f: {  	s11 =	sadd.s32 @!p1 s9, s16  }
0x20: {  	s12 =	sand.u32 @!p1 $0x1, s4;
	_ =	strace @!p1 $0x80000049;
	s18 =	sshll.u32 @!p1 s11, $0x4  }
0x21: {  	s22 =	simm.s32 @!p1 $0x0;
	s13 =	sshll.u32 @!p1 s12, $0x7;
	s18 =	sand.u32 @!p1 $0x1FFFFFF0, s18  }
0x22: {  	s14 =	sadd.s32 @!p1 $0x1, s12;
	s13 =	sor.u32 @!p1 $0x4000, s13;
	s21 =	sadd.s32 @!p1 s5, s18  }
0x23: {  	[tilespmem:s13], [sflag:s14] =	stream.linear.gather @!p1 [hbm4b:s21+s22], $0x80, $0x200038;
	[tilespmem:$0x1C200] =	vst v63  }
0x24: {  	s11 =	sshll.u32 @!p1 s11, $0xB;
	s13 =	sand.u32 @!p1 $0x1, s31  }
0x25: {  	s18 =	sadd.s32 @!p1 s6, s18;
	_ =	strace @!p1 $0x90000049;
	s14 =	sshll.u32 @!p1 s13, $0x7  }
0x26: {  	s13 =	sadd.s32 @!p1 $0x3, s13;
	_ =	strace @!p1 $0x8000004A;
	s14 =	sor.u32 @!p1 $0x4100, s14  }
0x27: {  	[tilespmem:s14], [sflag:s13] =	stream.linear.gather @!p1 [hbm4b:s18+s22], $0x80, $0x200038;
	[tilespmem:$0x1C200] =	vst v63  }
0x28: {  	s11 =	sand.u32 @!p1 $0x1FFFF800, s11;
	s14 =	sand.u32 @!p1 $0x1, s29  }
0x29: {  	s21 =	sadd.s32 @!p1 s7, s11;
	_ =	strace @!p1 $0x9000004A;
	s18 =	sshll.u32 @!p1 s14, $0xE  }
0x2a: {  	s14 =	sadd.s32 @!p1 $0x5, s14;
	_ =	strace @!p1 $0x8000004B;
	s18 =	sadd.s32 @!p1 $0x4200, s18  }
0x2b: {  	[tilespmem:s18], [sflag:s14] =	stream.linear.gather @!p1 [hbm4b:s21+s22], $0x4000, $0x200038;
	[tilespmem:$0x1C200] =	vst v63  }
0x2c: {  	s14 =	sand.u32 @!p1 $0x1, s26  }
0x2d: {  	s11 =	sadd.s32 @!p1 s8, s11;
	_ =	strace @!p1 $0x9000004B;
	s18 =	sshll.u32 @!p1 s14, $0xE  }
0x2e: {  	s14 =	sadd.s32 @!p1 $0x7, s14;
	_ =	strace @!p1 $0x8000004C;
	s18 =	sadd.s32 @!p1 $0xC200, s18  }
0x2f: {  	[tilespmem:s18], [sflag:s14] =	stream.linear.gather @!p1 [hbm4b:s11+s22], $0x4000, $0x200038;
	[tilespmem:$0x1C200] =	vst v63  }
0x30: {  	s14 =	sand.u32 $0x1, s0;
	_ =	strace @!p1 $0x9000004C  }
0x31: {  	s11 =	sadd.s32 $0x1, s14;
	_ =	strace $0x8000004D  }
0x32: {  	_ =	swait.ge [sflag:s11], $0x80  }
0x33: {  	[sflag:s11] =	ssyncset.done $0x0  }
0x34: {  	[sflag:s11] =	ssyncadd.s32 $0xFFFFFF80  }
0x35: {  	s18 =	sand.u32 $0x1, s30;
	_ =	strace $0x9000004D  }
0x36: {  	s11 =	sadd.s32 $0x3, s18;
	_ =	strace $0x8000004E  }
0x37: {  	_ =	swait.ge [sflag:s11], $0x80  }
0x38: {  	[sflag:s11] =	ssyncset.done $0x0  }
0x39: {  	[sflag:s11] =	ssyncadd.s32 $0xFFFFFF80  }
0x3a: {  	s14 =	sand.u32 $0x1, s28;
	_ =	strace $0x9000004E  }
0x3b: {  	s21 =	sadd.s32 $0x5, s14;
	_ =	strace $0x8000004F  }
0x3c: {  	s10 =	smov.u32 s4;
	p2 =	por !p2, p0;
	_ =	swait.ge [sflag:s21], $0x4000  }
0x3d: {  	s12 =	smov.u32 s31;
	s13 =	smov.u32 s29;
	[sflag:s21] =	ssyncset.done $0x0  }
0x3e: {  	s14 =	sshll.u32 s14, $0xE;
	s11 =	sadd.s32 @!p1 $0x1, s29;
	[sflag:s21] =	ssyncadd.s32 $0xFFFFC000  }
0x3f: {  	s29 =	smov.u32 @p2 s11;
	s21 =	sand.u32 $0x1, s25;
	_ =	strace $0x9000004F  }
0x40: {  	s11 =	sadd.s32 @!p1 $0x1, s4;
	s22 =	sadd.s32 $0x7, s21;
	_ =	strace $0x80000050  }
0x41: {  	s4 =	smov.u32 @p2 s11;
	s11 =	sadd.s32 @!p1 $0x1, s31;
	_ =	swait.ge [sflag:s22], $0x4000  }
0x42: {  	s18 =	sshll.u32 s0, $0x7;
	s31 =	smov.u32 @p2 s11;
	[sflag:s22] =	ssyncset.done $0x0  }
0x43: {  	s11 =	sand.u32 $0x80, s18;
	s4 =	smov.u32 @p0 s10;
	[sflag:s22] =	ssyncadd.s32 $0xFFFFC000  }
0x44: {  	s10 =	sadd.s32 $0x4240, s14;
	s11 =	sor.u32 $0x4000, s11;
	_ =	strace $0x90000050  }
0x45: {  	s21 =	sshll.u32 s21, $0xE;
	s22 =	simm.s32 $0x0;
	_ =	strace $0x80000051  }
0x46: {  	[tilespmem:s22], [sflag:$0xB] =	stream.indirect.gather [hbm4b:s1+s19], $0x80, s11, s19, $0x2000b8;
	[tilespmem:$0x1C200] =	vst v63  }
0x47: {  	v0 =	vmov s10;
	s22 =	sadd.s32 $0xC270, s21  }
0x48: {  	s18 =	simm.s32 $0x0;
	_ =	swait.ge [sflag:s20], $0x4000;
	v1 =	vmov s22  }
0x49: {  	s29 =	smov.u32 @p0 s13;
	s18 =	simm.s32 @p2 $0x1;
	[sflag:s20] =	ssyncset.done $0x0  }
0x4a: {  	s31 =	smov.u32 @p0 s12;
	s12 =	simm.s32 $0x0;
	[sflag:s20] =	ssyncadd.s32 $0xFFFFC000  }
0x4b: {  	s13 =	simm.s32 $0x200;
	s10 =	sadd.s32 s9, s17;
	s18 =	simm.s32 @p0 $0x0;
	v2 =	vld [tilespmem:s12+$0x0]  }
.LBB2_3:
0x4c: {  	p1 =	sne.s32 s13, $0xFE00;
	v3 =	vld.idx.msk [tilespmem:v0+s12+$0xFFFFFFC0 ss:$0x1], $0xffff  }
0x4d: {  	v4 =	vld.idx.msk [tilespmem:v1+s12+$0xFFFFFF90 ss:$0x1], $0xffff;
	_ =	sdelay $0x4  }
0x4e: {  	v2 =	vmul.f32 v2, v3;
	_ =	sdelay $0x1  }
0x4f: {  	v2 =	vadd.f32 v4, v2;
	_ =	sdelay $0x1  }
0x50: {  	[tilespmem:s12+$0x0] =	vst v2  }
0x51: {  	v2 =	vld.idx.msk [tilespmem:v0+s12+$0xFFFFFFD0 ss:$0x1], $0xffff  }
0x52: {  	v3 =	vld [tilespmem:s12+$0x10]  }
0x53: {  	v4 =	vld.idx.msk [tilespmem:v1+s12+$0xFFFFFFA0 ss:$0x1], $0xffff;
	_ =	sdelay $0x3  }
0x54: {  	v2 =	vmul.f32 v3, v2;
	_ =	sdelay $0x1  }
0x55: {  	v2 =	vadd.f32 v4, v2;
	_ =	sdelay $0x1  }
0x56: {  	[tilespmem:s12+$0x10] =	vst v2  }
0x57: {  	v2 =	vld.idx.msk [tilespmem:v0+s12+$0xFFFFFFE0 ss:$0x1], $0xffff  }
0x58: {  	v3 =	vld [tilespmem:s12+$0x20]  }
0x59: {  	v4 =	vld.idx.msk [tilespmem:v1+s12+$0xFFFFFFB0 ss:$0x1], $0xffff;
	_ =	sdelay $0x3  }
0x5a: {  	v2 =	vmul.f32 v3, v2;
	_ =	sdelay $0x1  }
0x5b: {  	v2 =	vadd.f32 v4, v2;
	_ =	sdelay $0x1  }
0x5c: {  	[tilespmem:s12+$0x20] =	vst v2  }
0x5d: {  	v2 =	vld.idx.msk [tilespmem:v0+s12+$0xFFFFFFF0 ss:$0x1], $0xffff  }
0x5e: {  	v3 =	vld [tilespmem:s12+$0x30]  }
0x5f: {  	v4 =	vld.idx.msk [tilespmem:v1+s12+$0xFFFFFFC0 ss:$0x1], $0xffff;
	_ =	sdelay $0x3  }
0x60: {  	v2 =	vmul.f32 v3, v2;
	_ =	sdelay $0x1  }
0x61: {  	v2 =	vadd.f32 v4, v2;
	_ =	sdelay $0x1  }
0x62: {  	[tilespmem:s12+$0x30] =	vst v2  }
0x63: {  	v2 =	vld.idx.msk [tilespmem:v0+s12+$0x0 ss:$0x1], $0xffff  }
0x64: {  	v3 =	vld [tilespmem:s12+$0x40]  }
0x65: {  	v4 =	vld.idx.msk [tilespmem:v1+s12+$0xFFFFFFD0 ss:$0x1], $0xffff;
	_ =	sdelay $0x3  }
0x66: {  	v2 =	vmul.f32 v3, v2;
	_ =	sdelay $0x1  }
0x67: {  	v2 =	vadd.f32 v4, v2;
	_ =	sdelay $0x1  }
0x68: {  	[tilespmem:s12+$0x40] =	vst v2  }
0x69: {  	v2 =	vld.idx.msk [tilespmem:v0+s12+$0x10 ss:$0x1], $0xffff  }
0x6a: {  	v3 =	vld [tilespmem:s12+$0x50]  }
0x6b: {  	v4 =	vld.idx.msk [tilespmem:v1+s12+$0xFFFFFFE0 ss:$0x1], $0xffff;
	_ =	sdelay $0x3  }
0x6c: {  	v2 =	vmul.f32 v3, v2;
	_ =	sdelay $0x1  }
0x6d: {  	v2 =	vadd.f32 v4, v2;
	_ =	sdelay $0x1  }
0x6e: {  	[tilespmem:s12+$0x50] =	vst v2  }
0x6f: {  	v2 =	vld.idx.msk [tilespmem:v0+s12+$0x20 ss:$0x1], $0xffff  }
0x70: {  	v3 =	vld [tilespmem:s12+$0x60]  }
0x71: {  	v4 =	vld.idx.msk [tilespmem:v1+s12+$0xFFFFFFF0 ss:$0x1], $0xffff;
	_ =	sdelay $0x3  }
0x72: {  	v2 =	vmul.f32 v3, v2;
	_ =	sdelay $0x1  }
0x73: {  	v2 =	vadd.f32 v4, v2;
	_ =	sdelay $0x1  }
0x74: {  	[tilespmem:s12+$0x60] =	vst v2;
	v2 =	vld [tilespmem:s12+$0x70]  }
0x75: {  	v3 =	vld.idx.msk [tilespmem:v0+s12+$0x30 ss:$0x1], $0xffff  }
0x76: {  	v4 =	vld.idx.msk [tilespmem:v1+s12+$0x0 ss:$0x1], $0xffff;
	_ =	sdelay $0x4  }
.Ltmp0:
0x77: {  	v2 =	vmul.f32 v2, v3;
	(pc) =	sbr.rel @p1 .LBB2_3-.Ltmp0, $4  }
0x78: {  	_ = 	snop  }
0x79: {  	v3 =	vadd.f32 v4, v2  }
0x7a: {  	s14 =	sshra.s32 s13, $0x2  }
0x7b: {  	s13 =	sadd.s32 $0x200, s13;
	v2 =	vld [tilespmem:s14+$0x0];
	[tilespmem:s12+$0x70] =	vst v3;
	s12 =	smov.u32 s14  }
0x7c: {  	_ =	sdelay $0x3  }
0x7d: {  	v3 =	vld.idx.msk [tilespmem:v0+s12+$0xFFFFFFC0 ss:$0x1], $0xffff;
	_ =	sdelay $0x1  }
0x7e: {  	v4 =	vld.idx.msk [tilespmem:v1+s12+$0xFFFFFF90 ss:$0x1], $0xffff;
	_ =	sdelay $0x2  }
0x7f: {  	v2 =	vmul.f32 v2, v3;
	_ =	sdelay $0x1  }
0x80: {  	v2 =	vadd.f32 v4, v2;
	_ =	sdelay $0x1  }
0x81: {  	v49 =	vld [tilespmem:s12+$0x10];
	[tilespmem:s12+$0x0] =	vst v2  }
0x82: {  	v2 =	vld.idx.msk [tilespmem:v0+s12+$0xFFFFFFD0 ss:$0x1], $0xffff;
	_ =	sdelay $0x1  }
0x83: {  	v50 =	vld.idx.msk [tilespmem:v1+s12+$0xFFFFFFA0 ss:$0x1], $0xffff;
	_ =	sdelay $0x2  }
0x84: {  	v2 =	vmul.f32 v49, v2;
	_ =	sdelay $0x1  }
0x85: {  	v2 =	vadd.f32 v50, v2;
	_ =	sdelay $0x1  }
0x86: {  	v51 =	vld [tilespmem:s12+$0x20];
	[tilespmem:s12+$0x10] =	vst v2  }
0x87: {  	v2 =	vld.idx.msk [tilespmem:v0+s12+$0xFFFFFFE0 ss:$0x1], $0xffff;
	_ =	sdelay $0x1  }
0x88: {  	v52 =	vld.idx.msk [tilespmem:v1+s12+$0xFFFFFFB0 ss:$0x1], $0xffff;
	_ =	sdelay $0x2  }
0x89: {  	v2 =	vmul.f32 v51, v2;
	_ =	sdelay $0x1  }
0x8a: {  	v2 =	vadd.f32 v52, v2;
	_ =	sdelay $0x1  }
0x8b: {  	v53 =	vld [tilespmem:s12+$0x30];
	[tilespmem:s12+$0x20] =	vst v2  }
0x8c: {  	v2 =	vld.idx.msk [tilespmem:v0+s12+$0xFFFFFFF0 ss:$0x1], $0xffff;
	_ =	sdelay $0x1  }
0x8d: {  	v54 =	vld.idx.msk [tilespmem:v1+s12+$0xFFFFFFC0 ss:$0x1], $0xffff;
	_ =	sdelay $0x2  }
0x8e: {  	v2 =	vmul.f32 v53, v2;
	_ =	sdelay $0x1  }
0x8f: {  	v2 =	vadd.f32 v54, v2;
	_ =	sdelay $0x1  }
0x90: {  	v55 =	vld [tilespmem:s12+$0x40];
	[tilespmem:s12+$0x30] =	vst v2  }
0x91: {  	v2 =	vld.idx.msk [tilespmem:v0+s12+$0x0 ss:$0x1], $0xffff;
	_ =	sdelay $0x1  }
0x92: {  	v56 =	vld.idx.msk [tilespmem:v1+s12+$0xFFFFFFD0 ss:$0x1], $0xffff;
	_ =	sdelay $0x2  }
0x93: {  	v2 =	vmul.f32 v55, v2;
	_ =	sdelay $0x1  }
0x94: {  	v2 =	vadd.f32 v56, v2;
	_ =	sdelay $0x1  }
0x95: {  	v57 =	vld [tilespmem:s12+$0x50];
	[tilespmem:s12+$0x40] =	vst v2  }
0x96: {  	v2 =	vld.idx.msk [tilespmem:v0+s12+$0x10 ss:$0x1], $0xffff;
	_ =	sdelay $0x1  }
0x97: {  	v58 =	vld.idx.msk [tilespmem:v1+s12+$0xFFFFFFE0 ss:$0x1], $0xffff;
	_ =	sdelay $0x2  }
0x98: {  	v2 =	vmul.f32 v57, v2;
	_ =	sdelay $0x1  }
0x99: {  	v2 =	vadd.f32 v58, v2;
	_ =	sdelay $0x1  }
0x9a: {  	v59 =	vld [tilespmem:s12+$0x60];
	[tilespmem:s12+$0x50] =	vst v2  }
0x9b: {  	v2 =	vld.idx.msk [tilespmem:v0+s12+$0x20 ss:$0x1], $0xffff;
	_ =	sdelay $0x1  }
0x9c: {  	v60 =	vld.idx.msk [tilespmem:v1+s12+$0xFFFFFFF0 ss:$0x1], $0xffff;
	_ =	sdelay $0x2  }
0x9d: {  	v2 =	vmul.f32 v59, v2;
	_ =	sdelay $0x1  }
0x9e: {  	v2 =	vadd.f32 v60, v2;
	_ =	sdelay $0x1  }
0x9f: {  	v61 =	vld [tilespmem:s12+$0x70];
	[tilespmem:s12+$0x60] =	vst v2  }
0xa0: {  	v62 =	vld.idx.msk [tilespmem:v0+s12+$0x30 ss:$0x1], $0xffff;
	_ =	sdelay $0x1  }
0xa1: {  	v63 =	vld.idx.msk [tilespmem:v1+s12+$0x0 ss:$0x1], $0xffff;
	_ =	sdelay $0x2  }
0xa2: {  	v0 =	vmul.f32 v61, v62;
	_ =	sdelay $0x1  }
0xa3: {  	v0 =	vadd.f32 v63, v0;
	_ =	sdelay $0x1  }
0xa4: {  	s22 =	sshll.u32 s30, $0x7;
	[tilespmem:s12+$0x70] =	vst v0  }
0xa5: {  	[hbm4b:s1+s19] =	stream.indirect.scatter [tilespmem:s3], [sflag:$0xB], $0x80, s11, s19, $0x2000b8;
	[tilespmem:$0x1C200] =	vst v63  }
0xa6: {  	p1 =	sne.s32 s17, s16;
	s11 =	sand.u32 $0x1, s24;
	_ =	swait.ge [sflag:s20], $0x4000  }
0xa7: {  	s12 =	sand.u32 $0x80, s22;
	s13 =	sshll.u32 s11, $0xE;
	[sflag:s20] =	ssyncset.done $0x0  }
0xa8: {  	s12 =	sor.u32 $0x4100, s12;
	s13 =	sadd.s32 $0x14200, s13;
	[sflag:s20] =	ssyncadd.s32 $0xFFFFC000  }
0xa9: {  	[tilespmem:s13], [sflag:$0xB] =	stream.indirect.gather [hbm4b:s1+s19], $0x80, s12, s19, $0x2000b8;
	[tilespmem:$0x1C200] =	vst v63  }
0xaa: {  	p0 =	por p0, p1;
	_ =	swait.ge [sflag:s20], $0x4000  }
0xab: {  	s10 =	sshll.u32 @p0 s10, $0xB;
	[sflag:s20] =	ssyncset.done $0x0  }
0xac: {  	s10 =	sand.u32 @p0 $0x1FFFF800, s10;
	[sflag:s20] =	ssyncadd.s32 $0xFFFFC000  }
0xad: {  	p1 =	seq.s32 s15, $0x0;
	s10 =	sadd.s32 @p0 s2, s10;
	_ =	strace $0x90000051  }
0xae: {  	s11 =	sadd.s32 @p0 $0x9, s11;
	s12 =	simm.s32 @p0 $0x0;
	_ =	strace @p0 $0x80000052  }
0xaf: {  	[hbm4b:s10+s12] =	stream.linear.scatter @p0 [tilespmem:s13], [sflag:s11], $0x4000, $0x200038;
	[tilespmem:$0x1C200] =	vst v63  }
0xb0: {  	s10 =	sand.u32 @!p1 $0x1, s23;
	_ =	strace @p0 $0x90000052  }
0xb1: {  	s10 =	sadd.s32 @!p1 $0x9, s10;
	_ =	strace @!p1 $0x80000053  }
0xb2: {  	s11 =	simm.s32 $0x1;
	_ =	swait.ge @!p1 [sflag:s10], $0x4000  }
0xb3: {  	s11 =	simm.s32 @!p0 $0x0;
	p0 =	sne.s32 s15, $0x0;
	[sflag:s10] =	ssyncset.done @!p1 $0x0  }
0xb4: {  	s15 =	sadd.s32 $0x1, s15;
	[sflag:s10] =	ssyncadd.s32 @!p1 $0xFFFFC000;
	s10 =	simm.s32 $0x1  }
0xb5: {  	s10 =	simm.s32 @!p0 $0x0;
	p0 =	sne.s32 s15, $0x8  }
.Ltmp1:
0xb6: {  	_ = 	snop;
	(pc) =	sbr.rel @p0 .LBB2_2-.Ltmp1, $4  }
0xb7: {  	_ = 	snop  }
0xb8: {  	s26 =	sadd.s32 s26, s18;
	s17 =	smov.u32 s16;
	s24 =	sadd.s32 s11, s24  }
0xb9: {  	s0 =	sadd.s32 s11, s0;
	s30 =	sadd.s32 s11, s30;
	s28 =	sadd.s32 s11, s28  }
0xba: {  	s25 =	sadd.s32 s11, s25;
	_ =	strace @!p1 $0x90000053;
	s23 =	sadd.s32 s10, s23  }
0xbb: {  	_ =	strace $0x80000054;
	s0 =	simm.s32 $0xA  }
0xbc: {  	_ =	swait.ge [sflag:s0], $0x4000  }
0xbd: {  	s4 =	rddreg [dreg:$0x9]  }
0xbe: {  	s31 =	rddreg [dreg:$0x8];
	s4 =	sadd.s32 $0x1, s4  }
0xbf: {  	p0 =	sne.s32 s4, s31  }
.Ltmp2:
0xc0: {  	_ = 	snop;
	(pc) =	sbr.rel @p0 .LBB2_1-.Ltmp2, $4  }
0xc1: {  	_ = 	snop  }
0xc2: {  	[sflag:s0] =	ssyncset.done $0x0  }
0xc3: {  	[sflag:s0] =	ssyncadd.s32 $0xFFFFC000  }
0xc4: {  	_ =	strace $0x90000054  }
0xc5: {  	_ =	sfence.sel $0x180000  }
0xc6: {  	[bflag:$0x0] =	sbarrier.arrive $0xFFFF  }
0xc7: {  	_ =	strace $0x90000047  }
0xc8: {  	s0 =	stileid.u32;
	[bflag:$0x2] =	sbarrier.arrive $0xFFFF  }
0xc9: {  	p0 =	sne.s32 s0, $0x0;
	s0 =	rddreg [dreg:$0x3]  }
0xca: {  	s0 =	sadd.s32 @!p0 $0x100000, s0  }
0xcb: {  	[sflag:s0] =	ssyncadd.tile.s32 @!p0 $0x1;
	_ =	shalt  }
.Lfunc_end2:
_tile_overlayer_lowered:
.L_overlay_start_2:
0xcc: {  	(tag) =	ssettag $0x2  }
0xcd: {  	s0 =	rddreg [dreg:$0x0];
	s2 =	stileid.u32  }
0xce: {  	s1 =	rddreg [dreg:$0x1];
	p0 =	sne.s32 s2, $0x0  }
0xcf: {  	s3 =	rddreg [dreg:$0x2];
	[bflag:$0x3] =	sbarrier.arrive $0xFFFF;
	s2 =	simm.s32 @!p0 $0x1C01  }
0xd0: {  	[timem:s3], [sflag:s2] =	dma.local @!p0 [hbm:s0], s1  }
0xd1: {  	s0 =	simm.s32 @!p0 $0x1  }
0xd2: {  	_ =	swait.ge @!p0 [sflag:s0], s1  }
0xd3: {  	s1 =	ssub.s32 @!p0 $0x0, s1;
	[sflag:s0] =	ssyncset.done @!p0 $0x0  }
0xd4: {  	[sflag:s0] =	ssyncadd.s32 @!p0 s1  }
0xd5: {  	[bflag:$0x3] =	sbarrier.arrive $0xFFFF  }
0xd6: {  	_ =	shalt  }

</sc_bundles>
